<compile_context>
chip_gen: v7x
topology: tpu7x:2x2x1
jax: 0.10.2.dev20260603
libtpu: 0.0.44.dev20260713+nightly
codegen_flags: <defaults>
</compile_context>

<pallas_src>
import functools

import jax
import jax.numpy as jnp
from jax import lax
from jax.experimental import pallas as pl
from jax.experimental.pallas import tpu as pltpu
from jax.experimental.pallas import tpu_sc as plsc

N = 10000
E = 320000
F = 128
R = 8
SUB = 16

NC = 2
NS = 16
NW = NC * NS
EPW = E // NW
K = 80
CH = EPW // K
NSEG = 5
SCH = CH // NSEG
NP = 10240
RPT = NP // NS
ZR = 16
BN = 2000



def _table_body(x_ref, w_ref, out_ref):
    bi = lax.broadcasted_iota(jnp.int32, (F, SUB), 0) // SUB
    cols = []
    for r in range(R):
        w2 = w_ref[r]
        cols.extend(jnp.where(bi == b, w2, 0.0) for b in range(F // SUB))
    bd = jnp.concatenate(cols, axis=1)
    y = jnp.dot(x_ref[...], bd, preferred_element_type=jnp.float32)
    for r in range(R):
        out_ref[r] = y[:, r * F:(r + 1) * F]


def _make_table(x, weight):
    grid = (N // BN,)
    return pl.pallas_call(
        _table_body,
        grid=grid,
        in_specs=[
            pl.BlockSpec((BN, F), lambda n: (n, 0)),
            pl.BlockSpec((R, F, SUB), lambda n: (0, 0, 0)),
        ],
        out_specs=pl.BlockSpec((R, BN, F), lambda n: (0, n, 0)),
        out_shape=jax.ShapeDtypeStruct((R, N, F), jnp.float32),
    )(x, weight.reshape(R, F, SUB))



def _sc_body(table, srcT, etT, dstT, out,
             src_v, idx_v, dst_v, g0, g1, g2, zbuf, acc,
             gs0, gs1, gs2, ss0, ss1, ss2):
    gbufs = (g0, g1, g2)
    gsems = (gs0, gs1, gs2)
    ssems = (ss0, ss1, ss2)
    def _fire_gather(gi, b):
        pltpu.async_copy(table.at[idx_v.at[gi]], gbufs[b], gsems[b])

    def _wait_gather(gi, b):
        pltpu.make_async_copy(table.at[idx_v.at[gi]], gbufs[b], gsems[b]).wait()

    def _fire_scatter(gi, b):
        pltpu.async_copy(gbufs[b], acc.at[dst_v.at[gi]], ssems[b], add=True)

    def _drain_scatter(gi, b):
        pltpu.make_async_copy(gbufs[b], acc.at[dst_v.at[gi]], ssems[b]).wait()
    c = lax.axis_index("c")
    s = lax.axis_index("s")
    wid = c * NS + s
    row0 = s * RPT

    zeros16 = jnp.zeros((16,), jnp.float32)

    @pl.loop(0, ZR)
    def _(r):
        for j in range(F // 16):
            zbuf[r, pl.ds(j * 16, 16)] = zeros16

    @pl.loop(0, RPT // ZR)
    def _(i):
        pltpu.async_copy(zbuf, acc.at[pl.ds(row0 + i * ZR, ZR)], gs0)

    @pl.loop(0, RPT // ZR)
    def _(i):
        pltpu.make_async_copy(zbuf, acc.at[pl.ds(row0 + i * ZR, ZR)], gs0).wait()

    plsc.subcore_barrier()

    @pl.loop(0, NSEG)
    def _(seg):
        pltpu.sync_copy(srcT.at[wid, seg], src_v)
        pltpu.sync_copy(etT.at[wid, seg], idx_v)
        pltpu.sync_copy(dstT.at[wid, seg], dst_v)

        @pl.loop(0, SCH)
        def _(g):
            for j in range(K // 16):
                sl = pl.ds(j * 16, 16)
                idx_v[g, sl] = idx_v[g, sl] * N + src_v[g, sl]

        _fire_gather(0, 0)
        _fire_gather(1, 1)
        _wait_gather(0, 0)
        _fire_scatter(0, 0)
        _fire_gather(2, 2)
        _wait_gather(1, 1)
        _fire_scatter(1, 1)
        _drain_scatter(0, 0)
        _fire_gather(3, 0)
        _wait_gather(2, 2)
        _fire_scatter(2, 2)

        @pl.loop(3, SCH - 1, step=3)
        def _(g):
            for u in range(3):
                c = g + u
                b = u
                nb = (u + 1) % 3
                _drain_scatter(c - 2, nb)
                _fire_gather(c + 1, nb)
                _wait_gather(c, b)
                _fire_scatter(c, b)

        _drain_scatter(SCH - 3, (SCH - 3) % 3)
        _wait_gather(SCH - 1, (SCH - 1) % 3)
        _fire_scatter(SCH - 1, (SCH - 1) % 3)
        _drain_scatter(SCH - 2, (SCH - 2) % 3)
        _drain_scatter(SCH - 1, (SCH - 1) % 3)

    plsc.subcore_barrier()

    pltpu.sync_copy(acc.at[pl.ds(row0, RPT)], out.at[c, pl.ds(row0, RPT)])


def _sc_scatter(table, srcT, etT, dstT):
    mesh = plsc.VectorSubcoreMesh(core_axis_name="c", subcore_axis_name="s")
    kern = pl.kernel(
        _sc_body,
        out_type=jax.ShapeDtypeStruct((NC, NP, F), jnp.float32),
        mesh=mesh,
        scratch_types=[
            pltpu.VMEM((SCH, K), jnp.int32),
            pltpu.VMEM((SCH, K), jnp.int32),
            pltpu.VMEM((SCH, K), jnp.int32),
            pltpu.VMEM((K, F), jnp.float32),
            pltpu.VMEM((K, F), jnp.float32),
            pltpu.VMEM((K, F), jnp.float32),
            pltpu.VMEM((ZR, F), jnp.float32),
            pltpu.VMEM_SHARED((NP, F), jnp.float32),
            pltpu.SemaphoreType.DMA,
            pltpu.SemaphoreType.DMA,
            pltpu.SemaphoreType.DMA,
            pltpu.SemaphoreType.DMA,
            pltpu.SemaphoreType.DMA,
            pltpu.SemaphoreType.DMA,
        ],
    )
    return kern(table, srcT, etT, dstT)



def _combine_body(p_ref, n_ref, o_ref):
    o_ref[...] = (p_ref[0] + p_ref[1]) * n_ref[...]


def _combine(partial, norm):
    grid = (N // BN,)
    return pl.pallas_call(
        _combine_body,
        grid=grid,
        in_specs=[
            pl.BlockSpec((NC, BN, F), lambda n: (0, n, 0)),
            pl.BlockSpec((BN, 1), lambda n: (n, 0)),
        ],
        out_specs=pl.BlockSpec((BN, F), lambda n: (n, 0)),
        out_shape=jax.ShapeDtypeStruct((N, F), jnp.float32),
    )(partial, norm)


def kernel(x, edge_index, edge_type, norm, weight):
    table = _make_table(x, weight).reshape(R * N, F)
    srcT = edge_index[0].reshape(NW, NSEG, SCH, K)
    dstT = edge_index[1].reshape(NW, NSEG, SCH, K)
    etT = edge_type.reshape(NW, NSEG, SCH, K)
    partial = _sc_scatter(table, srcT, etT, dstT)
    return _combine(partial, norm)

# --- scband reference (transcript-rebuilt; emitter-appended) ---
"""Pipeline reference for scband-rgcnlayer-76424648065359 (READ-ONLY COPY).

The authoritative reference and input builder live on the scoring server;
editing this copy changes nothing except your own understanding.
"""

import jax, jax.numpy as jnp
import numpy as np

N = 10000
E = 320000
IN_FEAT = 128
OUT_FEAT = 128
NUM_REL = 8
NUM_BASES = 8
SUB_IN = IN_FEAT // NUM_BASES    # 16
SUB_OUT = OUT_FEAT // NUM_BASES  # 16


def setup_inputs(seed: int = 0) -> dict:
    key = jax.random.key(seed)
    k1, k2, k3, k4, k5 = jax.random.split(key, 5)
    x = jax.random.normal(k1, (N, IN_FEAT), dtype=jnp.float32)
    edge_index = jax.random.randint(k2, (2, E), 0, N, dtype=jnp.int32)
    edge_type = jax.random.randint(k3, (E,), 0, NUM_REL, dtype=jnp.int32)
    norm = jax.random.uniform(k4, (N, 1), dtype=jnp.float32)
    # relation weight: [num_relations, num_bases * submat_in * submat_out], xavier-ish init
    fan = SUB_IN + SUB_OUT
    gain = jnp.sqrt(2.0)
    bound = gain * jnp.sqrt(6.0 / (NUM_REL + NUM_BASES * SUB_IN * SUB_OUT))
    weight = jax.random.uniform(k5, (NUM_REL, NUM_BASES * SUB_IN * SUB_OUT), dtype=jnp.float32, minval=-bound, maxval=bound)
    return {"x": x, "edge_index": edge_index, "edge_type": edge_type, "norm": norm, "weight": weight}


def reference(x, edge_index, edge_type, norm, weight):
    src = edge_index[0]
    dst = edge_index[1]
    # message_func: block-diagonal (basis-decomposed) per-relation transform
    # weight.index_select(0, etype).view(-1, submat_in, submat_out)
    w = jnp.take(weight, edge_type, axis=0).reshape(-1, SUB_IN, SUB_OUT)  # [E*B, si, so]
    # edges.src['h'].view(-1, 1, submat_in)
    h_src = jnp.take(x, src, axis=0).reshape(-1, 1, SUB_IN)              # [E*B, 1, si]
    msg = jnp.matmul(h_src, w).reshape(-1, OUT_FEAT)                     # [E, out_feat]
    # fn.sum(msg -> h): scatter-add over destination nodes
    agg = jax.ops.segment_sum(msg, dst, num_segments=N)                  # [N, out_feat]
    # apply_func: h = h * norm
    nodes = agg * norm
    # bias=False, self_loop=False, activation=None, dropout=0.0
    return nodes

if __name__ == "__main__":
    import jax
    _d = setup_inputs()
    print(jax.jit(kernel)(*tuple(_d.values())))

</pallas_src>

<mosaic_0001>
#map = affine_map<(d0, d1) -> (0, 0)>
#map1 = affine_map<(d0, d1) -> (0, 0, 0, 0)>
#map2 = affine_map<(d0, d1) -> (0, 0, 0)>
module attributes {stable_mosaic.version = 14 : i64} {
  func.func @_sc_body(%arg0: i32, %arg1: i32, %arg2: memref<80000x128xf32, #tpu.memory_space<hbm>>, %arg3: memref<32x5x25x80xi32, #tpu.memory_space<hbm>>, %arg4: memref<32x5x25x80xi32, #tpu.memory_space<hbm>>, %arg5: memref<32x5x25x80xi32, #tpu.memory_space<hbm>>, %arg6: memref<2x10240x128xf32, #tpu.memory_space<hbm>>, %arg7: memref<25x80xi32, #tpu.memory_space<vmem>>, %arg8: memref<25x80xi32, #tpu.memory_space<vmem>>, %arg9: memref<25x80xi32, #tpu.memory_space<vmem>>, %arg10: memref<80x128xf32, #tpu.memory_space<vmem>>, %arg11: memref<80x128xf32, #tpu.memory_space<vmem>>, %arg12: memref<80x128xf32, #tpu.memory_space<vmem>>, %arg13: memref<16x128xf32, #tpu.memory_space<vmem>>, %arg14: memref<10240x128xf32, #tpu.memory_space<vmem_shared>>, %arg15: memref<!tpu.dma_semaphore, #tpu.memory_space<semaphore_mem>>, %arg16: memref<!tpu.dma_semaphore, #tpu.memory_space<semaphore_mem>>, %arg17: memref<!tpu.dma_semaphore, #tpu.memory_space<semaphore_mem>>, %arg18: memref<!tpu.dma_semaphore, #tpu.memory_space<semaphore_mem>>, %arg19: memref<!tpu.dma_semaphore, #tpu.memory_space<semaphore_mem>>, %arg20: memref<!tpu.dma_semaphore, #tpu.memory_space<semaphore_mem>>) attributes {dimension_semantics = [#tpu.dimension_semantics<core_parallel>, #tpu.dimension_semantics<subcore_parallel>], iteration_bounds = array<i64: 2, 16>, scalar_prefetch = 0 : i64, scratch_operands = 14 : i64, tpu.core_type = #tpu.core_type<sc_vector_subcore>, window_params = [{transform_indices = #map}, {transform_indices = #map1}, {transform_indices = #map1}, {transform_indices = #map1}, {transform_indices = #map2}]} {
    %mul3A = arith.constant 16 : i32
    %mul3A_0 = arith.muli %arg0, %mul3A : i32
    %add3A = arith.addi %mul3A_0, %arg1 : i32
    %mul3A_1 = arith.constant 640 : i32
    %mul3A_2 = arith.muli %arg1, %mul3A_1 : i32
    %broadcast_in_dim3A = arith.constant 0.000000e+00 : f32
    %broadcast_in_dim3A_3 = vector.broadcast %broadcast_in_dim3A : f32 to vector<16xf32>
    %scan3A = arith.constant 0 : i32
    %scan3A_4 = arith.constant 16 : i32
    %scan3A_5 = arith.addi %scan3A, %scan3A_4 : i32
    %scan3A_6 = arith.constant 1 : i32
    scf.for %scan3A_24 = %scan3A to %scan3A_5 step %scan3A_6  : i32 {
      %mul3A_25 = arith.constant 1 : i32
      %mul3A_26 = arith.muli %scan3A_24, %mul3A_25 : i32
      %add3A_27 = arith.constant 0 : i32
      %add3A_28 = arith.addi %add3A_27, %mul3A_26 : i32
      %swap3A = arith.index_cast %add3A_28 : i32 to index
      %swap3A_29 = arith.constant 0 : index
      %swap3A_30 = tpu.vector_load %arg13[%swap3A, %swap3A_29] {strides = array<i32>} : memref<16x128xf32, #tpu.memory_space<vmem>>, vector<1x16xf32>,
      %swap3A_31 = vector.shape_cast %swap3A_30 : vector<1x16xf32> to vector<16xf32>
      %swap3A_32 = vector.shape_cast %broadcast_in_dim3A_3 : vector<16xf32> to vector<1x16xf32>
      tpu.vector_store %arg13[%swap3A, %swap3A_29], %swap3A_32 {strides = array<i32>} : memref<16x128xf32, #tpu.memory_space<vmem>>, vector<1x16xf32>,
      %swap3A_33 = arith.index_cast %add3A_28 : i32 to index
      %swap3A_34 = arith.constant 16 : index
      %swap3A_35 = tpu.vector_load %arg13[%swap3A_33, %swap3A_34] {strides = array<i32>} : memref<16x128xf32, #tpu.memory_space<vmem>>, vector<1x16xf32>,
      %swap3A_36 = vector.shape_cast %swap3A_35 : vector<1x16xf32> to vector<16xf32>
      %swap3A_37 = vector.shape_cast %broadcast_in_dim3A_3 : vector<16xf32> to vector<1x16xf32>
      tpu.vector_store %arg13[%swap3A_33, %swap3A_34], %swap3A_37 {strides = array<i32>} : memref<16x128xf32, #tpu.memory_space<vmem>>, vector<1x16xf32>,
      %swap3A_38 = arith.index_cast %add3A_28 : i32 to index
      %swap3A_39 = arith.constant 32 : index
      %swap3A_40 = tpu.vector_load %arg13[%swap3A_38, %swap3A_39] {strides = array<i32>} : memref<16x128xf32, #tpu.memory_space<vmem>>, vector<1x16xf32>,
      %swap3A_41 = vector.shape_cast %swap3A_40 : vector<1x16xf32> to vector<16xf32>
      %swap3A_42 = vector.shape_cast %broadcast_in_dim3A_3 : vector<16xf32> to vector<1x16xf32>
      tpu.vector_store %arg13[%swap3A_38, %swap3A_39], %swap3A_42 {strides = array<i32>} : memref<16x128xf32, #tpu.memory_space<vmem>>, vector<1x16xf32>,
      %swap3A_43 = arith.index_cast %add3A_28 : i32 to index
      %swap3A_44 = arith.constant 48 : index
      %swap3A_45 = tpu.vector_load %arg13[%swap3A_43, %swap3A_44] {strides = array<i32>} : memref<16x128xf32, #tpu.memory_space<vmem>>, vector<1x16xf32>,
      %swap3A_46 = vector.shape_cast %swap3A_45 : vector<1x16xf32> to vector<16xf32>
      %swap3A_47 = vector.shape_cast %broadcast_in_dim3A_3 : vector<16xf32> to vector<1x16xf32>
      tpu.vector_store %arg13[%swap3A_43, %swap3A_44], %swap3A_47 {strides = array<i32>} : memref<16x128xf32, #tpu.memory_space<vmem>>, vector<1x16xf32>,
      %swap3A_48 = arith.index_cast %add3A_28 : i32 to index
      %swap3A_49 = arith.constant 64 : index
      %swap3A_50 = tpu.vector_load %arg13[%swap3A_48, %swap3A_49] {strides = array<i32>} : memref<16x128xf32, #tpu.memory_space<vmem>>, vector<1x16xf32>,
      %swap3A_51 = vector.shape_cast %swap3A_50 : vector<1x16xf32> to vector<16xf32>
      %swap3A_52 = vector.shape_cast %broadcast_in_dim3A_3 : vector<16xf32> to vector<1x16xf32>
      tpu.vector_store %arg13[%swap3A_48, %swap3A_49], %swap3A_52 {strides = array<i32>} : memref<16x128xf32, #tpu.memory_space<vmem>>, vector<1x16xf32>,
      %swap3A_53 = arith.index_cast %add3A_28 : i32 to index
      %swap3A_54 = arith.constant 80 : index
      %swap3A_55 = tpu.vector_load %arg13[%swap3A_53, %swap3A_54] {strides = array<i32>} : memref<16x128xf32, #tpu.memory_space<vmem>>, vector<1x16xf32>,
      %swap3A_56 = vector.shape_cast %swap3A_55 : vector<1x16xf32> to vector<16xf32>
      %swap3A_57 = vector.shape_cast %broadcast_in_dim3A_3 : vector<16xf32> to vector<1x16xf32>
      tpu.vector_store %arg13[%swap3A_53, %swap3A_54], %swap3A_57 {strides = array<i32>} : memref<16x128xf32, #tpu.memory_space<vmem>>, vector<1x16xf32>,
      %swap3A_58 = arith.index_cast %add3A_28 : i32 to index
      %swap3A_59 = arith.constant 96 : index
      %swap3A_60 = tpu.vector_load %arg13[%swap3A_58, %swap3A_59] {strides = array<i32>} : memref<16x128xf32, #tpu.memory_space<vmem>>, vector<1x16xf32>,
      %swap3A_61 = vector.shape_cast %swap3A_60 : vector<1x16xf32> to vector<16xf32>
      %swap3A_62 = vector.shape_cast %broadcast_in_dim3A_3 : vector<16xf32> to vector<1x16xf32>
      tpu.vector_store %arg13[%swap3A_58, %swap3A_59], %swap3A_62 {strides = array<i32>} : memref<16x128xf32, #tpu.memory_space<vmem>>, vector<1x16xf32>,
      %swap3A_63 = arith.index_cast %add3A_28 : i32 to index
      %swap3A_64 = arith.constant 112 : index
      %swap3A_65 = tpu.vector_load %arg13[%swap3A_63, %swap3A_64] {strides = array<i32>} : memref<16x128xf32, #tpu.memory_space<vmem>>, vector<1x16xf32>,
      %swap3A_66 = vector.shape_cast %swap3A_65 : vector<1x16xf32> to vector<16xf32>
      %swap3A_67 = vector.shape_cast %broadcast_in_dim3A_3 : vector<16xf32> to vector<1x16xf32>
      tpu.vector_store %arg13[%swap3A_63, %swap3A_64], %swap3A_67 {strides = array<i32>} : memref<16x128xf32, #tpu.memory_space<vmem>>, vector<1x16xf32>,
    }
    %scan3A_7 = arith.constant 16 : i32
    %scan3A_8 = arith.constant 0 : i32
    %scan3A_9 = arith.constant 40 : i32
    %scan3A_10 = arith.addi %scan3A_8, %scan3A_9 : i32
    %scan3A_11 = arith.constant 1 : i32
    scf.for %scan3A_24 = %scan3A_8 to %scan3A_10 step %scan3A_11  : i32 {
      %mul3A_25 = arith.constant 1 : i32
      %mul3A_26 = arith.muli %scan3A_24, %mul3A_25 : i32
      %add3A_27 = arith.constant 0 : i32
      %add3A_28 = arith.addi %add3A_27, %mul3A_26 : i32
      %mul3A_29 = arith.constant 16 : i32
      %mul3A_30 = arith.muli %add3A_28, %mul3A_29 : i32
      %add3A_31 = arith.addi %mul3A_2, %mul3A_30 : i32
      %dma_start3A = arith.constant 0 : i32
      %dma_start3A_32 = tpu.memref_slice %arg14[%add3A_31, %dma_start3A] : memref<10240x128xf32, #tpu.memory_space<vmem_shared>> -> memref<16x128xf32, #tpu.memory_space<vmem_shared>>
      %dma_start3A_33 = arith.constant 0 : i32
      %dma_start3A_34 = tpu.memref_slice %arg14[%add3A_31, %dma_start3A_33] : memref<10240x128xf32, #tpu.memory_space<vmem_shared>> -> memref<16x128xf32, #tpu.memory_space<vmem_shared>>
      tpu.enqueue_dma source(%arg13 : memref<16x128xf32, #tpu.memory_space<vmem>>) target(%dma_start3A_34 : memref<16x128xf32, #tpu.memory_space<vmem_shared>>) target_semaphore(%arg15 : memref<!tpu.dma_semaphore, #tpu.memory_space<semaphore_mem>>)
    }
    %scan3A_12 = arith.constant 40 : i32
    %scan3A_13 = arith.constant 0 : i32
    %scan3A_14 = arith.constant 40 : i32
    %scan3A_15 = arith.addi %scan3A_13, %scan3A_14 : i32
    %scan3A_16 = arith.constant 1 : i32
    scf.for %scan3A_24 = %scan3A_13 to %scan3A_15 step %scan3A_16  : i32 {
      %mul3A_25 = arith.constant 1 : i32
      %mul3A_26 = arith.muli %scan3A_24, %mul3A_25 : i32
      %add3A_27 = arith.constant 0 : i32
      %add3A_28 = arith.addi %add3A_27, %mul3A_26 : i32
      %mul3A_29 = arith.constant 16 : i32
      %mul3A_30 = arith.muli %add3A_28, %mul3A_29 : i32
      %add3A_31 = arith.addi %mul3A_2, %mul3A_30 : i32
      %dma_wait3A = arith.constant 0 : i32
      %dma_wait3A_32 = tpu.memref_slice %arg14[%add3A_31, %dma_wait3A] : memref<10240x128xf32, #tpu.memory_space<vmem_shared>> -> memref<16x128xf32, #tpu.memory_space<vmem_shared>>
      %dma_wait3A_33 = arith.constant 0 : i32
      %dma_wait3A_34 = tpu.memref_slice %arg14[%add3A_31, %dma_wait3A_33] : memref<10240x128xf32, #tpu.memory_space<vmem_shared>> -> memref<16x128xf32, #tpu.memory_space<vmem_shared>>
      tpu.wait_dma2 semaphore(%arg15 : memref<!tpu.dma_semaphore, #tpu.memory_space<semaphore_mem>>) src(%arg13 : memref<16x128xf32, #tpu.memory_space<vmem>>) dst(%dma_wait3A_34 : memref<16x128xf32, #tpu.memory_space<vmem_shared>>)
    }
    %scan3A_17 = arith.constant 40 : i32
    %barrier3A = arith.constant 0 : index
    tpu.barrier barrier_id(%barrier3A)
    %scan3A_18 = arith.constant 0 : i32
    %scan3A_19 = arith.constant 5 : i32
    %scan3A_20 = arith.addi %scan3A_18, %scan3A_19 : i32
    %scan3A_21 = arith.constant 1 : i32
    scf.for %scan3A_24 = %scan3A_18 to %scan3A_20 step %scan3A_21  : i32 {
      %mul3A_25 = arith.constant 1 : i32
      %mul3A_26 = arith.muli %scan3A_24, %mul3A_25 : i32
      %add3A_27 = arith.constant 0 : i32
      %add3A_28 = arith.addi %add3A_27, %mul3A_26 : i32
      "tpu.region"() ({
        %run_scoped3A = tpu.sem_alloc : memref<!tpu.dma_semaphore, #tpu.memory_space<semaphore_mem>>
        %dma_start3A_149 = arith.constant 0 : i32
        %dma_start3A_150 = arith.constant 0 : i32
        %dma_start3A_151 = tpu.memref_slice %arg3[%add3A, %add3A_28, %dma_start3A_149, %dma_start3A_150] : memref<32x5x25x80xi32, #tpu.memory_space<hbm>> -> memref<1x1x25x80xi32, #tpu.memory_space<hbm>>
        %dma_start3A_152 = tpu.memref_squeeze %dma_start3A_151 : memref<1x1x25x80xi32, #tpu.memory_space<hbm>> -> memref<25x80xi32, #tpu.memory_space<hbm>>
        %dma_start3A_153 = arith.constant 0 : i32
        %dma_start3A_154 = arith.constant 0 : i32
        %dma_start3A_155 = tpu.memref_slice %arg3[%add3A, %add3A_28, %dma_start3A_153, %dma_start3A_154] : memref<32x5x25x80xi32, #tpu.memory_space<hbm>> -> memref<1x1x25x80xi32, #tpu.memory_space<hbm>>
        %dma_start3A_156 = tpu.memref_squeeze %dma_start3A_155 : memref<1x1x25x80xi32, #tpu.memory_space<hbm>> -> memref<25x80xi32, #tpu.memory_space<hbm>>
        tpu.enqueue_dma source(%dma_start3A_156 : memref<25x80xi32, #tpu.memory_space<hbm>>) target(%arg7 : memref<25x80xi32, #tpu.memory_space<vmem>>) target_semaphore(%run_scoped3A : memref<!tpu.dma_semaphore, #tpu.memory_space<semaphore_mem>>)
        %dma_wait3A_157 = arith.constant 0 : i32
        %dma_wait3A_158 = arith.constant 0 : i32
        %dma_wait3A_159 = tpu.memref_slice %arg3[%add3A, %add3A_28, %dma_wait3A_157, %dma_wait3A_158] : memref<32x5x25x80xi32, #tpu.memory_space<hbm>> -> memref<1x1x25x80xi32, #tpu.memory_space<hbm>>
        %dma_wait3A_160 = tpu.memref_squeeze %dma_wait3A_159 : memref<1x1x25x80xi32, #tpu.memory_space<hbm>> -> memref<25x80xi32, #tpu.memory_space<hbm>>
        %dma_wait3A_161 = arith.constant 0 : i32
        %dma_wait3A_162 = arith.constant 0 : i32
        %dma_wait3A_163 = tpu.memref_slice %arg3[%add3A, %add3A_28, %dma_wait3A_161, %dma_wait3A_162] : memref<32x5x25x80xi32, #tpu.memory_space<hbm>> -> memref<1x1x25x80xi32, #tpu.memory_space<hbm>>
        %dma_wait3A_164 = tpu.memref_squeeze %dma_wait3A_163 : memref<1x1x25x80xi32, #tpu.memory_space<hbm>> -> memref<25x80xi32, #tpu.memory_space<hbm>>
        tpu.wait_dma2 semaphore(%run_scoped3A : memref<!tpu.dma_semaphore, #tpu.memory_space<semaphore_mem>>) src(%dma_wait3A_164 : memref<25x80xi32, #tpu.memory_space<hbm>>) dst(%arg7 : memref<25x80xi32, #tpu.memory_space<vmem>>)
        tpu.yield
      }) : () -> ()
      "tpu.region"() ({
        %run_scoped3A = tpu.sem_alloc : memref<!tpu.dma_semaphore, #tpu.memory_space<semaphore_mem>>
        %dma_start3A_149 = arith.constant 0 : i32
        %dma_start3A_150 = arith.constant 0 : i32
        %dma_start3A_151 = tpu.memref_slice %arg4[%add3A, %add3A_28, %dma_start3A_149, %dma_start3A_150] : memref<32x5x25x80xi32, #tpu.memory_space<hbm>> -> memref<1x1x25x80xi32, #tpu.memory_space<hbm>>
        %dma_start3A_152 = tpu.memref_squeeze %dma_start3A_151 : memref<1x1x25x80xi32, #tpu.memory_space<hbm>> -> memref<25x80xi32, #tpu.memory_space<hbm>>
        %dma_start3A_153 = arith.constant 0 : i32
        %dma_start3A_154 = arith.constant 0 : i32
        %dma_start3A_155 = tpu.memref_slice %arg4[%add3A, %add3A_28, %dma_start3A_153, %dma_start3A_154] : memref<32x5x25x80xi32, #tpu.memory_space<hbm>> -> memref<1x1x25x80xi32, #tpu.memory_space<hbm>>
        %dma_start3A_156 = tpu.memref_squeeze %dma_start3A_155 : memref<1x1x25x80xi32, #tpu.memory_space<hbm>> -> memref<25x80xi32, #tpu.memory_space<hbm>>
        tpu.enqueue_dma source(%dma_start3A_156 : memref<25x80xi32, #tpu.memory_space<hbm>>) target(%arg8 : memref<25x80xi32, #tpu.memory_space<vmem>>) target_semaphore(%run_scoped3A : memref<!tpu.dma_semaphore, #tpu.memory_space<semaphore_mem>>)
        %dma_wait3A_157 = arith.constant 0 : i32
        %dma_wait3A_158 = arith.constant 0 : i32
        %dma_wait3A_159 = tpu.memref_slice %arg4[%add3A, %add3A_28, %dma_wait3A_157, %dma_wait3A_158] : memref<32x5x25x80xi32, #tpu.memory_space<hbm>> -> memref<1x1x25x80xi32, #tpu.memory_space<hbm>>
        %dma_wait3A_160 = tpu.memref_squeeze %dma_wait3A_159 : memref<1x1x25x80xi32, #tpu.memory_space<hbm>> -> memref<25x80xi32, #tpu.memory_space<hbm>>
        %dma_wait3A_161 = arith.constant 0 : i32
        %dma_wait3A_162 = arith.constant 0 : i32
        %dma_wait3A_163 = tpu.memref_slice %arg4[%add3A, %add3A_28, %dma_wait3A_161, %dma_wait3A_162] : memref<32x5x25x80xi32, #tpu.memory_space<hbm>> -> memref<1x1x25x80xi32, #tpu.memory_space<hbm>>
        %dma_wait3A_164 = tpu.memref_squeeze %dma_wait3A_163 : memref<1x1x25x80xi32, #tpu.memory_space<hbm>> -> memref<25x80xi32, #tpu.memory_space<hbm>>
        tpu.wait_dma2 semaphore(%run_scoped3A : memref<!tpu.dma_semaphore, #tpu.memory_space<semaphore_mem>>) src(%dma_wait3A_164 : memref<25x80xi32, #tpu.memory_space<hbm>>) dst(%arg8 : memref<25x80xi32, #tpu.memory_space<vmem>>)
        tpu.yield
      }) : () -> ()
      "tpu.region"() ({
        %run_scoped3A = tpu.sem_alloc : memref<!tpu.dma_semaphore, #tpu.memory_space<semaphore_mem>>
        %dma_start3A_149 = arith.constant 0 : i32
        %dma_start3A_150 = arith.constant 0 : i32
        %dma_start3A_151 = tpu.memref_slice %arg5[%add3A, %add3A_28, %dma_start3A_149, %dma_start3A_150] : memref<32x5x25x80xi32, #tpu.memory_space<hbm>> -> memref<1x1x25x80xi32, #tpu.memory_space<hbm>>
        %dma_start3A_152 = tpu.memref_squeeze %dma_start3A_151 : memref<1x1x25x80xi32, #tpu.memory_space<hbm>> -> memref<25x80xi32, #tpu.memory_space<hbm>>
        %dma_start3A_153 = arith.constant 0 : i32
        %dma_start3A_154 = arith.constant 0 : i32
        %dma_start3A_155 = tpu.memref_slice %arg5[%add3A, %add3A_28, %dma_start3A_153, %dma_start3A_154] : memref<32x5x25x80xi32, #tpu.memory_space<hbm>> -> memref<1x1x25x80xi32, #tpu.memory_space<hbm>>
        %dma_start3A_156 = tpu.memref_squeeze %dma_start3A_155 : memref<1x1x25x80xi32, #tpu.memory_space<hbm>> -> memref<25x80xi32, #tpu.memory_space<hbm>>
        tpu.enqueue_dma source(%dma_start3A_156 : memref<25x80xi32, #tpu.memory_space<hbm>>) target(%arg9 : memref<25x80xi32, #tpu.memory_space<vmem>>) target_semaphore(%run_scoped3A : memref<!tpu.dma_semaphore, #tpu.memory_space<semaphore_mem>>)
        %dma_wait3A_157 = arith.constant 0 : i32
        %dma_wait3A_158 = arith.constant 0 : i32
        %dma_wait3A_159 = tpu.memref_slice %arg5[%add3A, %add3A_28, %dma_wait3A_157, %dma_wait3A_158] : memref<32x5x25x80xi32, #tpu.memory_space<hbm>> -> memref<1x1x25x80xi32, #tpu.memory_space<hbm>>
        %dma_wait3A_160 = tpu.memref_squeeze %dma_wait3A_159 : memref<1x1x25x80xi32, #tpu.memory_space<hbm>> -> memref<25x80xi32, #tpu.memory_space<hbm>>
        %dma_wait3A_161 = arith.constant 0 : i32
        %dma_wait3A_162 = arith.constant 0 : i32
        %dma_wait3A_163 = tpu.memref_slice %arg5[%add3A, %add3A_28, %dma_wait3A_161, %dma_wait3A_162] : memref<32x5x25x80xi32, #tpu.memory_space<hbm>> -> memref<1x1x25x80xi32, #tpu.memory_space<hbm>>
        %dma_wait3A_164 = tpu.memref_squeeze %dma_wait3A_163 : memref<1x1x25x80xi32, #tpu.memory_space<hbm>> -> memref<25x80xi32, #tpu.memory_space<hbm>>
        tpu.wait_dma2 semaphore(%run_scoped3A : memref<!tpu.dma_semaphore, #tpu.memory_space<semaphore_mem>>) src(%dma_wait3A_164 : memref<25x80xi32, #tpu.memory_space<hbm>>) dst(%arg9 : memref<25x80xi32, #tpu.memory_space<vmem>>)
        tpu.yield
      }) : () -> ()
      %scan3A_29 = arith.constant 0 : i32
      %scan3A_30 = arith.constant 25 : i32
      %scan3A_31 = arith.addi %scan3A_29, %scan3A_30 : i32
      %scan3A_32 = arith.constant 1 : i32
      scf.for %scan3A_149 = %scan3A_29 to %scan3A_31 step %scan3A_32  : i32 {
        %mul3A_150 = arith.constant 1 : i32
        %mul3A_151 = arith.muli %scan3A_149, %mul3A_150 : i32
        %add3A_152 = arith.constant 0 : i32
        %add3A_153 = arith.addi %add3A_152, %mul3A_151 : i32
        %get3A = arith.index_cast %add3A_153 : i32 to index
        %get3A_154 = arith.constant 0 : index
        %get3A_155 = tpu.vector_load %arg8[%get3A, %get3A_154] {strides = array<i32>} : memref<25x80xi32, #tpu.memory_space<vmem>>, vector<1x16xi32>,
        %get3A_156 = vector.shape_cast %get3A_155 : vector<1x16xi32> to vector<16xi32>
        %mul3A_157 = arith.constant 10000 : i32
        %mul3A_158 = vector.broadcast %mul3A_157 : i32 to vector<16xi32>
        %mul3A_159 = arith.muli %get3A_156, %mul3A_158 : vector<16xi32>
        %get3A_160 = arith.index_cast %add3A_153 : i32 to index
        %get3A_161 = arith.constant 0 : index
        %get3A_162 = tpu.vector_load %arg7[%get3A_160, %get3A_161] {strides = array<i32>} : memref<25x80xi32, #tpu.memory_space<vmem>>, vector<1x16xi32>,
        %get3A_163 = vector.shape_cast %get3A_162 : vector<1x16xi32> to vector<16xi32>
        %add3A_164 = arith.addi %mul3A_159, %get3A_163 : vector<16xi32>
        %swap3A = arith.index_cast %add3A_153 : i32 to index
        %swap3A_165 = arith.constant 0 : index
        %swap3A_166 = tpu.vector_load %arg8[%swap3A, %swap3A_165] {strides = array<i32>} : memref<25x80xi32, #tpu.memory_space<vmem>>, vector<1x16xi32>,
        %swap3A_167 = vector.shape_cast %swap3A_166 : vector<1x16xi32> to vector<16xi32>
        %swap3A_168 = vector.shape_cast %add3A_164 : vector<16xi32> to vector<1x16xi32>
        tpu.vector_store %arg8[%swap3A, %swap3A_165], %swap3A_168 {strides = array<i32>} : memref<25x80xi32, #tpu.memory_space<vmem>>, vector<1x16xi32>,
        %get3A_169 = arith.index_cast %add3A_153 : i32 to index
        %get3A_170 = arith.constant 16 : index
        %get3A_171 = tpu.vector_load %arg8[%get3A_169, %get3A_170] {strides = array<i32>} : memref<25x80xi32, #tpu.memory_space<vmem>>, vector<1x16xi32>,
        %get3A_172 = vector.shape_cast %get3A_171 : vector<1x16xi32> to vector<16xi32>
        %mul3A_173 = arith.constant 10000 : i32
        %mul3A_174 = vector.broadcast %mul3A_173 : i32 to vector<16xi32>
        %mul3A_175 = arith.muli %get3A_172, %mul3A_174 : vector<16xi32>
        %get3A_176 = arith.index_cast %add3A_153 : i32 to index
        %get3A_177 = arith.constant 16 : index
        %get3A_178 = tpu.vector_load %arg7[%get3A_176, %get3A_177] {strides = array<i32>} : memref<25x80xi32, #tpu.memory_space<vmem>>, vector<1x16xi32>,
        %get3A_179 = vector.shape_cast %get3A_178 : vector<1x16xi32> to vector<16xi32>
        %add3A_180 = arith.addi %mul3A_175, %get3A_179 : vector<16xi32>
        %swap3A_181 = arith.index_cast %add3A_153 : i32 to index
        %swap3A_182 = arith.constant 16 : index
        %swap3A_183 = tpu.vector_load %arg8[%swap3A_181, %swap3A_182] {strides = array<i32>} : memref<25x80xi32, #tpu.memory_space<vmem>>, vector<1x16xi32>,
        %swap3A_184 = vector.shape_cast %swap3A_183 : vector<1x16xi32> to vector<16xi32>
        %swap3A_185 = vector.shape_cast %add3A_180 : vector<16xi32> to vector<1x16xi32>
        tpu.vector_store %arg8[%swap3A_181, %swap3A_182], %swap3A_185 {strides = array<i32>} : memref<25x80xi32, #tpu.memory_space<vmem>>, vector<1x16xi32>,
        %get3A_186 = arith.index_cast %add3A_153 : i32 to index
        %get3A_187 = arith.constant 32 : index
        %get3A_188 = tpu.vector_load %arg8[%get3A_186, %get3A_187] {strides = array<i32>} : memref<25x80xi32, #tpu.memory_space<vmem>>, vector<1x16xi32>,
        %get3A_189 = vector.shape_cast %get3A_188 : vector<1x16xi32> to vector<16xi32>
        %mul3A_190 = arith.constant 10000 : i32
        %mul3A_191 = vector.broadcast %mul3A_190 : i32 to vector<16xi32>
        %mul3A_192 = arith.muli %get3A_189, %mul3A_191 : vector<16xi32>
        %get3A_193 = arith.index_cast %add3A_153 : i32 to index
        %get3A_194 = arith.constant 32 : index
        %get3A_195 = tpu.vector_load %arg7[%get3A_193, %get3A_194] {strides = array<i32>} : memref<25x80xi32, #tpu.memory_space<vmem>>, vector<1x16xi32>,
        %get3A_196 = vector.shape_cast %get3A_195 : vector<1x16xi32> to vector<16xi32>
        %add3A_197 = arith.addi %mul3A_192, %get3A_196 : vector<16xi32>
        %swap3A_198 = arith.index_cast %add3A_153 : i32 to index
        %swap3A_199 = arith.constant 32 : index
        %swap3A_200 = tpu.vector_load %arg8[%swap3A_198, %swap3A_199] {strides = array<i32>} : memref<25x80xi32, #tpu.memory_space<vmem>>, vector<1x16xi32>,
        %swap3A_201 = vector.shape_cast %swap3A_200 : vector<1x16xi32> to vector<16xi32>
        %swap3A_202 = vector.shape_cast %add3A_197 : vector<16xi32> to vector<1x16xi32>
        tpu.vector_store %arg8[%swap3A_198, %swap3A_199], %swap3A_202 {strides = array<i32>} : memref<25x80xi32, #tpu.memory_space<vmem>>, vector<1x16xi32>,
        %get3A_203 = arith.index_cast %add3A_153 : i32 to index
        %get3A_204 = arith.constant 48 : index
        %get3A_205 = tpu.vector_load %arg8[%get3A_203, %get3A_204] {strides = array<i32>} : memref<25x80xi32, #tpu.memory_space<vmem>>, vector<1x16xi32>,
        %get3A_206 = vector.shape_cast %get3A_205 : vector<1x16xi32> to vector<16xi32>
        %mul3A_207 = arith.constant 10000 : i32
        %mul3A_208 = vector.broadcast %mul3A_207 : i32 to vector<16xi32>
        %mul3A_209 = arith.muli %get3A_206, %mul3A_208 : vector<16xi32>
        %get3A_210 = arith.index_cast %add3A_153 : i32 to index
        %get3A_211 = arith.constant 48 : index
        %get3A_212 = tpu.vector_load %arg7[%get3A_210, %get3A_211] {strides = array<i32>} : memref<25x80xi32, #tpu.memory_space<vmem>>, vector<1x16xi32>,
        %get3A_213 = vector.shape_cast %get3A_212 : vector<1x16xi32> to vector<16xi32>
        %add3A_214 = arith.addi %mul3A_209, %get3A_213 : vector<16xi32>
        %swap3A_215 = arith.index_cast %add3A_153 : i32 to index
        %swap3A_216 = arith.constant 48 : index
        %swap3A_217 = tpu.vector_load %arg8[%swap3A_215, %swap3A_216] {strides = array<i32>} : memref<25x80xi32, #tpu.memory_space<vmem>>, vector<1x16xi32>,
        %swap3A_218 = vector.shape_cast %swap3A_217 : vector<1x16xi32> to vector<16xi32>
        %swap3A_219 = vector.shape_cast %add3A_214 : vector<16xi32> to vector<1x16xi32>
        tpu.vector_store %arg8[%swap3A_215, %swap3A_216], %swap3A_219 {strides = array<i32>} : memref<25x80xi32, #tpu.memory_space<vmem>>, vector<1x16xi32>,
        %get3A_220 = arith.index_cast %add3A_153 : i32 to index
        %get3A_221 = arith.constant 64 : index
        %get3A_222 = tpu.vector_load %arg8[%get3A_220, %get3A_221] {strides = array<i32>} : memref<25x80xi32, #tpu.memory_space<vmem>>, vector<1x16xi32>,
        %get3A_223 = vector.shape_cast %get3A_222 : vector<1x16xi32> to vector<16xi32>
        %mul3A_224 = arith.constant 10000 : i32
        %mul3A_225 = vector.broadcast %mul3A_224 : i32 to vector<16xi32>
        %mul3A_226 = arith.muli %get3A_223, %mul3A_225 : vector<16xi32>
        %get3A_227 = arith.index_cast %add3A_153 : i32 to index
        %get3A_228 = arith.constant 64 : index
        %get3A_229 = tpu.vector_load %arg7[%get3A_227, %get3A_228] {strides = array<i32>} : memref<25x80xi32, #tpu.memory_space<vmem>>, vector<1x16xi32>,
        %get3A_230 = vector.shape_cast %get3A_229 : vector<1x16xi32> to vector<16xi32>
        %add3A_231 = arith.addi %mul3A_226, %get3A_230 : vector<16xi32>
        %swap3A_232 = arith.index_cast %add3A_153 : i32 to index
        %swap3A_233 = arith.constant 64 : index
        %swap3A_234 = tpu.vector_load %arg8[%swap3A_232, %swap3A_233] {strides = array<i32>} : memref<25x80xi32, #tpu.memory_space<vmem>>, vector<1x16xi32>,
        %swap3A_235 = vector.shape_cast %swap3A_234 : vector<1x16xi32> to vector<16xi32>
        %swap3A_236 = vector.shape_cast %add3A_231 : vector<16xi32> to vector<1x16xi32>
        tpu.vector_store %arg8[%swap3A_232, %swap3A_233], %swap3A_236 {strides = array<i32>} : memref<25x80xi32, #tpu.memory_space<vmem>>, vector<1x16xi32>,
      }
      %scan3A_33 = arith.constant 25 : i32
      %dma_start3A = arith.constant 0 : i32
      %dma_start3A_34 = arith.constant 0 : i32
      %dma_start3A_35 = tpu.memref_slice %arg8[%dma_start3A, %dma_start3A_34] : memref<25x80xi32, #tpu.memory_space<vmem>> -> memref<1x80xi32, #tpu.memory_space<vmem>>
      %dma_start3A_36 = tpu.memref_squeeze %dma_start3A_35 : memref<1x80xi32, #tpu.memory_space<vmem>> -> memref<80xi32, #tpu.memory_space<vmem>>
      %dma_start3A_37 = arith.constant 0 : i32
      %dma_start3A_38 = arith.constant 0 : i32
      %dma_start3A_39 = tpu.memref_slice %arg2[%dma_start3A_37, %dma_start3A_38] : memref<80000x128xf32, #tpu.memory_space<hbm>> -> memref<80000x128xf32, #tpu.memory_space<hbm>>
      tpu.enqueue_indirect_dma source(%dma_start3A_39 : memref<80000x128xf32, #tpu.memory_space<hbm>>) target(%arg10 : memref<80x128xf32, #tpu.memory_space<vmem>>) offsets(%dma_start3A_36 : memref<80xi32, #tpu.memory_space<vmem>>) semaphore(%arg15 : memref<!tpu.dma_semaphore, #tpu.memory_space<semaphore_mem>>)
      %dma_start3A_40 = arith.constant 1 : i32
      %dma_start3A_41 = arith.constant 0 : i32
      %dma_start3A_42 = tpu.memref_slice %arg8[%dma_start3A_40, %dma_start3A_41] : memref<25x80xi32, #tpu.memory_space<vmem>> -> memref<1x80xi32, #tpu.memory_space<vmem>>
      %dma_start3A_43 = tpu.memref_squeeze %dma_start3A_42 : memref<1x80xi32, #tpu.memory_space<vmem>> -> memref<80xi32, #tpu.memory_space<vmem>>
      %dma_start3A_44 = arith.constant 0 : i32
      %dma_start3A_45 = arith.constant 0 : i32
      %dma_start3A_46 = tpu.memref_slice %arg2[%dma_start3A_44, %dma_start3A_45] : memref<80000x128xf32, #tpu.memory_space<hbm>> -> memref<80000x128xf32, #tpu.memory_space<hbm>>
      tpu.enqueue_indirect_dma source(%dma_start3A_46 : memref<80000x128xf32, #tpu.memory_space<hbm>>) target(%arg11 : memref<80x128xf32, #tpu.memory_space<vmem>>) offsets(%dma_start3A_43 : memref<80xi32, #tpu.memory_space<vmem>>) semaphore(%arg16 : memref<!tpu.dma_semaphore, #tpu.memory_space<semaphore_mem>>)
      %dma_wait3A = arith.constant 0 : i32
      %dma_wait3A_47 = arith.constant 0 : i32
      %dma_wait3A_48 = tpu.memref_slice %arg8[%dma_wait3A, %dma_wait3A_47] : memref<25x80xi32, #tpu.memory_space<vmem>> -> memref<1x80xi32, #tpu.memory_space<vmem>>
      %dma_wait3A_49 = tpu.memref_squeeze %dma_wait3A_48 : memref<1x80xi32, #tpu.memory_space<vmem>> -> memref<80xi32, #tpu.memory_space<vmem>>
      %dma_wait3A_50 = arith.constant 0 : i32
      %dma_wait3A_51 = arith.constant 0 : i32
      %dma_wait3A_52 = tpu.memref_slice %arg2[%dma_wait3A_50, %dma_wait3A_51] : memref<80000x128xf32, #tpu.memory_space<hbm>> -> memref<80000x128xf32, #tpu.memory_space<hbm>>
      tpu.wait_indirect_dma semaphore(%arg15 : memref<!tpu.dma_semaphore, #tpu.memory_space<semaphore_mem>>) src(%dma_wait3A_52 : memref<80000x128xf32, #tpu.memory_space<hbm>>) dst(%arg10 : memref<80x128xf32, #tpu.memory_space<vmem>>)
      %dma_start3A_53 = arith.constant 0 : i32
      %dma_start3A_54 = arith.constant 0 : i32
      %dma_start3A_55 = tpu.memref_slice %arg9[%dma_start3A_53, %dma_start3A_54] : memref<25x80xi32, #tpu.memory_space<vmem>> -> memref<1x80xi32, #tpu.memory_space<vmem>>
      %dma_start3A_56 = tpu.memref_squeeze %dma_start3A_55 : memref<1x80xi32, #tpu.memory_space<vmem>> -> memref<80xi32, #tpu.memory_space<vmem>>
      %dma_start3A_57 = arith.constant 0 : i32
      %dma_start3A_58 = arith.constant 0 : i32
      %dma_start3A_59 = tpu.memref_slice %arg14[%dma_start3A_57, %dma_start3A_58] : memref<10240x128xf32, #tpu.memory_space<vmem_shared>> -> memref<10240x128xf32, #tpu.memory_space<vmem_shared>>
      tpu.enqueue_indirect_dma source(%arg10 : memref<80x128xf32, #tpu.memory_space<vmem>>) target(%dma_start3A_59 : memref<10240x128xf32, #tpu.memory_space<vmem_shared>>) offsets(%dma_start3A_56 : memref<80xi32, #tpu.memory_space<vmem>>) semaphore(%arg18 : memref<!tpu.dma_semaphore, #tpu.memory_space<semaphore_mem>>) {add = true}
      %dma_start3A_60 = arith.constant 2 : i32
      %dma_start3A_61 = arith.constant 0 : i32
      %dma_start3A_62 = tpu.memref_slice %arg8[%dma_start3A_60, %dma_start3A_61] : memref<25x80xi32, #tpu.memory_space<vmem>> -> memref<1x80xi32, #tpu.memory_space<vmem>>
      %dma_start3A_63 = tpu.memref_squeeze %dma_start3A_62 : memref<1x80xi32, #tpu.memory_space<vmem>> -> memref<80xi32, #tpu.memory_space<vmem>>
      %dma_start3A_64 = arith.constant 0 : i32
      %dma_start3A_65 = arith.constant 0 : i32
      %dma_start3A_66 = tpu.memref_slice %arg2[%dma_start3A_64, %dma_start3A_65] : memref<80000x128xf32, #tpu.memory_space<hbm>> -> memref<80000x128xf32, #tpu.memory_space<hbm>>
      tpu.enqueue_indirect_dma source(%dma_start3A_66 : memref<80000x128xf32, #tpu.memory_space<hbm>>) target(%arg12 : memref<80x128xf32, #tpu.memory_space<vmem>>) offsets(%dma_start3A_63 : memref<80xi32, #tpu.memory_space<vmem>>) semaphore(%arg17 : memref<!tpu.dma_semaphore, #tpu.memory_space<semaphore_mem>>)
      %dma_wait3A_67 = arith.constant 1 : i32
      %dma_wait3A_68 = arith.constant 0 : i32
      %dma_wait3A_69 = tpu.memref_slice %arg8[%dma_wait3A_67, %dma_wait3A_68] : memref<25x80xi32, #tpu.memory_space<vmem>> -> memref<1x80xi32, #tpu.memory_space<vmem>>
      %dma_wait3A_70 = tpu.memref_squeeze %dma_wait3A_69 : memref<1x80xi32, #tpu.memory_space<vmem>> -> memref<80xi32, #tpu.memory_space<vmem>>
      %dma_wait3A_71 = arith.constant 0 : i32
      %dma_wait3A_72 = arith.constant 0 : i32
      %dma_wait3A_73 = tpu.memref_slice %arg2[%dma_wait3A_71, %dma_wait3A_72] : memref<80000x128xf32, #tpu.memory_space<hbm>> -> memref<80000x128xf32, #tpu.memory_space<hbm>>
      tpu.wait_indirect_dma semaphore(%arg16 : memref<!tpu.dma_semaphore, #tpu.memory_space<semaphore_mem>>) src(%dma_wait3A_73 : memref<80000x128xf32, #tpu.memory_space<hbm>>) dst(%arg11 : memref<80x128xf32, #tpu.memory_space<vmem>>)
      %dma_start3A_74 = arith.constant 1 : i32
      %dma_start3A_75 = arith.constant 0 : i32
      %dma_start3A_76 = tpu.memref_slice %arg9[%dma_start3A_74, %dma_start3A_75] : memref<25x80xi32, #tpu.memory_space<vmem>> -> memref<1x80xi32, #tpu.memory_space<vmem>>
      %dma_start3A_77 = tpu.memref_squeeze %dma_start3A_76 : memref<1x80xi32, #tpu.memory_space<vmem>> -> memref<80xi32, #tpu.memory_space<vmem>>
      %dma_start3A_78 = arith.constant 0 : i32
      %dma_start3A_79 = arith.constant 0 : i32
      %dma_start3A_80 = tpu.memref_slice %arg14[%dma_start3A_78, %dma_start3A_79] : memref<10240x128xf32, #tpu.memory_space<vmem_shared>> -> memref<10240x128xf32, #tpu.memory_space<vmem_shared>>
      tpu.enqueue_indirect_dma source(%arg11 : memref<80x128xf32, #tpu.memory_space<vmem>>) target(%dma_start3A_80 : memref<10240x128xf32, #tpu.memory_space<vmem_shared>>) offsets(%dma_start3A_77 : memref<80xi32, #tpu.memory_space<vmem>>) semaphore(%arg19 : memref<!tpu.dma_semaphore, #tpu.memory_space<semaphore_mem>>) {add = true}
      %dma_wait3A_81 = arith.constant 0 : i32
      %dma_wait3A_82 = arith.constant 0 : i32
      %dma_wait3A_83 = tpu.memref_slice %arg9[%dma_wait3A_81, %dma_wait3A_82] : memref<25x80xi32, #tpu.memory_space<vmem>> -> memref<1x80xi32, #tpu.memory_space<vmem>>
      %dma_wait3A_84 = tpu.memref_squeeze %dma_wait3A_83 : memref<1x80xi32, #tpu.memory_space<vmem>> -> memref<80xi32, #tpu.memory_space<vmem>>
      %dma_wait3A_85 = arith.constant 0 : i32
      %dma_wait3A_86 = arith.constant 0 : i32
      %dma_wait3A_87 = tpu.memref_slice %arg14[%dma_wait3A_85, %dma_wait3A_86] : memref<10240x128xf32, #tpu.memory_space<vmem_shared>> -> memref<10240x128xf32, #tpu.memory_space<vmem_shared>>
      tpu.wait_indirect_dma semaphore(%arg18 : memref<!tpu.dma_semaphore, #tpu.memory_space<semaphore_mem>>) src(%arg10 : memref<80x128xf32, #tpu.memory_space<vmem>>) dst(%dma_wait3A_87 : memref<10240x128xf32, #tpu.memory_space<vmem_shared>>)
      %dma_start3A_88 = arith.constant 3 : i32
      %dma_start3A_89 = arith.constant 0 : i32
      %dma_start3A_90 = tpu.memref_slice %arg8[%dma_start3A_88, %dma_start3A_89] : memref<25x80xi32, #tpu.memory_space<vmem>> -> memref<1x80xi32, #tpu.memory_space<vmem>>
      %dma_start3A_91 = tpu.memref_squeeze %dma_start3A_90 : memref<1x80xi32, #tpu.memory_space<vmem>> -> memref<80xi32, #tpu.memory_space<vmem>>
      %dma_start3A_92 = arith.constant 0 : i32
      %dma_start3A_93 = arith.constant 0 : i32
      %dma_start3A_94 = tpu.memref_slice %arg2[%dma_start3A_92, %dma_start3A_93] : memref<80000x128xf32, #tpu.memory_space<hbm>> -> memref<80000x128xf32, #tpu.memory_space<hbm>>
      tpu.enqueue_indirect_dma source(%dma_start3A_94 : memref<80000x128xf32, #tpu.memory_space<hbm>>) target(%arg10 : memref<80x128xf32, #tpu.memory_space<vmem>>) offsets(%dma_start3A_91 : memref<80xi32, #tpu.memory_space<vmem>>) semaphore(%arg15 : memref<!tpu.dma_semaphore, #tpu.memory_space<semaphore_mem>>)
      %dma_wait3A_95 = arith.constant 2 : i32
      %dma_wait3A_96 = arith.constant 0 : i32
      %dma_wait3A_97 = tpu.memref_slice %arg8[%dma_wait3A_95, %dma_wait3A_96] : memref<25x80xi32, #tpu.memory_space<vmem>> -> memref<1x80xi32, #tpu.memory_space<vmem>>
      %dma_wait3A_98 = tpu.memref_squeeze %dma_wait3A_97 : memref<1x80xi32, #tpu.memory_space<vmem>> -> memref<80xi32, #tpu.memory_space<vmem>>
      %dma_wait3A_99 = arith.constant 0 : i32
      %dma_wait3A_100 = arith.constant 0 : i32
      %dma_wait3A_101 = tpu.memref_slice %arg2[%dma_wait3A_99, %dma_wait3A_100] : memref<80000x128xf32, #tpu.memory_space<hbm>> -> memref<80000x128xf32, #tpu.memory_space<hbm>>
      tpu.wait_indirect_dma semaphore(%arg17 : memref<!tpu.dma_semaphore, #tpu.memory_space<semaphore_mem>>) src(%dma_wait3A_101 : memref<80000x128xf32, #tpu.memory_space<hbm>>) dst(%arg12 : memref<80x128xf32, #tpu.memory_space<vmem>>)
      %dma_start3A_102 = arith.constant 2 : i32
      %dma_start3A_103 = arith.constant 0 : i32
      %dma_start3A_104 = tpu.memref_slice %arg9[%dma_start3A_102, %dma_start3A_103] : memref<25x80xi32, #tpu.memory_space<vmem>> -> memref<1x80xi32, #tpu.memory_space<vmem>>
      %dma_start3A_105 = tpu.memref_squeeze %dma_start3A_104 : memref<1x80xi32, #tpu.memory_space<vmem>> -> memref<80xi32, #tpu.memory_space<vmem>>
      %dma_start3A_106 = arith.constant 0 : i32
      %dma_start3A_107 = arith.constant 0 : i32
      %dma_start3A_108 = tpu.memref_slice %arg14[%dma_start3A_106, %dma_start3A_107] : memref<10240x128xf32, #tpu.memory_space<vmem_shared>> -> memref<10240x128xf32, #tpu.memory_space<vmem_shared>>
      tpu.enqueue_indirect_dma source(%arg12 : memref<80x128xf32, #tpu.memory_space<vmem>>) target(%dma_start3A_108 : memref<10240x128xf32, #tpu.memory_space<vmem_shared>>) offsets(%dma_start3A_105 : memref<80xi32, #tpu.memory_space<vmem>>) semaphore(%arg20 : memref<!tpu.dma_semaphore, #tpu.memory_space<semaphore_mem>>) {add = true}
      %scan3A_109 = arith.constant 0 : i32
      %scan3A_110 = arith.constant 7 : i32
      %scan3A_111 = arith.addi %scan3A_109, %scan3A_110 : i32
      %scan3A_112 = arith.constant 1 : i32
      scf.for %scan3A_149 = %scan3A_109 to %scan3A_111 step %scan3A_112  : i32 {
        %mul3A_150 = arith.constant 3 : i32
        %mul3A_151 = arith.muli %scan3A_149, %mul3A_150 : i32
        %add3A_152 = arith.constant 3 : i32
        %add3A_153 = arith.addi %add3A_152, %mul3A_151 : i32
        %add3A_154 = arith.constant 0 : i32
        %add3A_155 = arith.addi %add3A_153, %add3A_154 : i32
        %sub3A = arith.constant 2 : i32
        %sub3A_156 = arith.subi %add3A_155, %sub3A : i32
        %dma_wait3A_157 = arith.constant 0 : i32
        %dma_wait3A_158 = tpu.memref_slice %arg9[%sub3A_156, %dma_wait3A_157] : memref<25x80xi32, #tpu.memory_space<vmem>> -> memref<1x80xi32, #tpu.memory_space<vmem>>
        %dma_wait3A_159 = tpu.memref_squeeze %dma_wait3A_158 : memref<1x80xi32, #tpu.memory_space<vmem>> -> memref<80xi32, #tpu.memory_space<vmem>>
        %dma_wait3A_160 = arith.constant 0 : i32
        %dma_wait3A_161 = arith.constant 0 : i32
        %dma_wait3A_162 = tpu.memref_slice %arg14[%dma_wait3A_160, %dma_wait3A_161] : memref<10240x128xf32, #tpu.memory_space<vmem_shared>> -> memref<10240x128xf32, #tpu.memory_space<vmem_shared>>
        tpu.wait_indirect_dma semaphore(%arg19 : memref<!tpu.dma_semaphore, #tpu.memory_space<semaphore_mem>>) src(%arg11 : memref<80x128xf32, #tpu.memory_space<vmem>>) dst(%dma_wait3A_162 : memref<10240x128xf32, #tpu.memory_space<vmem_shared>>)
        %add3A_163 = arith.constant 1 : i32
        %add3A_164 = arith.addi %add3A_155, %add3A_163 : i32
        %dma_start3A_165 = arith.constant 0 : i32
        %dma_start3A_166 = tpu.memref_slice %arg8[%add3A_164, %dma_start3A_165] : memref<25x80xi32, #tpu.memory_space<vmem>> -> memref<1x80xi32, #tpu.memory_space<vmem>>
        %dma_start3A_167 = tpu.memref_squeeze %dma_start3A_166 : memref<1x80xi32, #tpu.memory_space<vmem>> -> memref<80xi32, #tpu.memory_space<vmem>>
        %dma_start3A_168 = arith.constant 0 : i32
        %dma_start3A_169 = arith.constant 0 : i32
        %dma_start3A_170 = tpu.memref_slice %arg2[%dma_start3A_168, %dma_start3A_169] : memref<80000x128xf32, #tpu.memory_space<hbm>> -> memref<80000x128xf32, #tpu.memory_space<hbm>>
        tpu.enqueue_indirect_dma source(%dma_start3A_170 : memref<80000x128xf32, #tpu.memory_space<hbm>>) target(%arg11 : memref<80x128xf32, #tpu.memory_space<vmem>>) offsets(%dma_start3A_167 : memref<80xi32, #tpu.memory_space<vmem>>) semaphore(%arg16 : memref<!tpu.dma_semaphore, #tpu.memory_space<semaphore_mem>>)
        %dma_wait3A_171 = arith.constant 0 : i32
        %dma_wait3A_172 = tpu.memref_slice %arg8[%add3A_155, %dma_wait3A_171] : memref<25x80xi32, #tpu.memory_space<vmem>> -> memref<1x80xi32, #tpu.memory_space<vmem>>
        %dma_wait3A_173 = tpu.memref_squeeze %dma_wait3A_172 : memref<1x80xi32, #tpu.memory_space<vmem>> -> memref<80xi32, #tpu.memory_space<vmem>>
        %dma_wait3A_174 = arith.constant 0 : i32
        %dma_wait3A_175 = arith.constant 0 : i32
        %dma_wait3A_176 = tpu.memref_slice %arg2[%dma_wait3A_174, %dma_wait3A_175] : memref<80000x128xf32, #tpu.memory_space<hbm>> -> memref<80000x128xf32, #tpu.memory_space<hbm>>
        tpu.wait_indirect_dma semaphore(%arg15 : memref<!tpu.dma_semaphore, #tpu.memory_space<semaphore_mem>>) src(%dma_wait3A_176 : memref<80000x128xf32, #tpu.memory_space<hbm>>) dst(%arg10 : memref<80x128xf32, #tpu.memory_space<vmem>>)
        %dma_start3A_177 = arith.constant 0 : i32
        %dma_start3A_178 = tpu.memref_slice %arg9[%add3A_155, %dma_start3A_177] : memref<25x80xi32, #tpu.memory_space<vmem>> -> memref<1x80xi32, #tpu.memory_space<vmem>>
        %dma_start3A_179 = tpu.memref_squeeze %dma_start3A_178 : memref<1x80xi32, #tpu.memory_space<vmem>> -> memref<80xi32, #tpu.memory_space<vmem>>
        %dma_start3A_180 = arith.constant 0 : i32
        %dma_start3A_181 = arith.constant 0 : i32
        %dma_start3A_182 = tpu.memref_slice %arg14[%dma_start3A_180, %dma_start3A_181] : memref<10240x128xf32, #tpu.memory_space<vmem_shared>> -> memref<10240x128xf32, #tpu.memory_space<vmem_shared>>
        tpu.enqueue_indirect_dma source(%arg10 : memref<80x128xf32, #tpu.memory_space<vmem>>) target(%dma_start3A_182 : memref<10240x128xf32, #tpu.memory_space<vmem_shared>>) offsets(%dma_start3A_179 : memref<80xi32, #tpu.memory_space<vmem>>) semaphore(%arg18 : memref<!tpu.dma_semaphore, #tpu.memory_space<semaphore_mem>>) {add = true}
        %add3A_183 = arith.constant 1 : i32
        %add3A_184 = arith.addi %add3A_153, %add3A_183 : i32
        %sub3A_185 = arith.constant 2 : i32
        %sub3A_186 = arith.subi %add3A_184, %sub3A_185 : i32
        %dma_wait3A_187 = arith.constant 0 : i32
        %dma_wait3A_188 = tpu.memref_slice %arg9[%sub3A_186, %dma_wait3A_187] : memref<25x80xi32, #tpu.memory_space<vmem>> -> memref<1x80xi32, #tpu.memory_space<vmem>>
        %dma_wait3A_189 = tpu.memref_squeeze %dma_wait3A_188 : memref<1x80xi32, #tpu.memory_space<vmem>> -> memref<80xi32, #tpu.memory_space<vmem>>
        %dma_wait3A_190 = arith.constant 0 : i32
        %dma_wait3A_191 = arith.constant 0 : i32
        %dma_wait3A_192 = tpu.memref_slice %arg14[%dma_wait3A_190, %dma_wait3A_191] : memref<10240x128xf32, #tpu.memory_space<vmem_shared>> -> memref<10240x128xf32, #tpu.memory_space<vmem_shared>>
        tpu.wait_indirect_dma semaphore(%arg20 : memref<!tpu.dma_semaphore, #tpu.memory_space<semaphore_mem>>) src(%arg12 : memref<80x128xf32, #tpu.memory_space<vmem>>) dst(%dma_wait3A_192 : memref<10240x128xf32, #tpu.memory_space<vmem_shared>>)
        %add3A_193 = arith.constant 1 : i32
        %add3A_194 = arith.addi %add3A_184, %add3A_193 : i32
        %dma_start3A_195 = arith.constant 0 : i32
        %dma_start3A_196 = tpu.memref_slice %arg8[%add3A_194, %dma_start3A_195] : memref<25x80xi32, #tpu.memory_space<vmem>> -> memref<1x80xi32, #tpu.memory_space<vmem>>
        %dma_start3A_197 = tpu.memref_squeeze %dma_start3A_196 : memref<1x80xi32, #tpu.memory_space<vmem>> -> memref<80xi32, #tpu.memory_space<vmem>>
        %dma_start3A_198 = arith.constant 0 : i32
        %dma_start3A_199 = arith.constant 0 : i32
        %dma_start3A_200 = tpu.memref_slice %arg2[%dma_start3A_198, %dma_start3A_199] : memref<80000x128xf32, #tpu.memory_space<hbm>> -> memref<80000x128xf32, #tpu.memory_space<hbm>>
        tpu.enqueue_indirect_dma source(%dma_start3A_200 : memref<80000x128xf32, #tpu.memory_space<hbm>>) target(%arg12 : memref<80x128xf32, #tpu.memory_space<vmem>>) offsets(%dma_start3A_197 : memref<80xi32, #tpu.memory_space<vmem>>) semaphore(%arg17 : memref<!tpu.dma_semaphore, #tpu.memory_space<semaphore_mem>>)
        %dma_wait3A_201 = arith.constant 0 : i32
        %dma_wait3A_202 = tpu.memref_slice %arg8[%add3A_184, %dma_wait3A_201] : memref<25x80xi32, #tpu.memory_space<vmem>> -> memref<1x80xi32, #tpu.memory_space<vmem>>
        %dma_wait3A_203 = tpu.memref_squeeze %dma_wait3A_202 : memref<1x80xi32, #tpu.memory_space<vmem>> -> memref<80xi32, #tpu.memory_space<vmem>>
        %dma_wait3A_204 = arith.constant 0 : i32
        %dma_wait3A_205 = arith.constant 0 : i32
        %dma_wait3A_206 = tpu.memref_slice %arg2[%dma_wait3A_204, %dma_wait3A_205] : memref<80000x128xf32, #tpu.memory_space<hbm>> -> memref<80000x128xf32, #tpu.memory_space<hbm>>
        tpu.wait_indirect_dma semaphore(%arg16 : memref<!tpu.dma_semaphore, #tpu.memory_space<semaphore_mem>>) src(%dma_wait3A_206 : memref<80000x128xf32, #tpu.memory_space<hbm>>) dst(%arg11 : memref<80x128xf32, #tpu.memory_space<vmem>>)
        %dma_start3A_207 = arith.constant 0 : i32
        %dma_start3A_208 = tpu.memref_slice %arg9[%add3A_184, %dma_start3A_207] : memref<25x80xi32, #tpu.memory_space<vmem>> -> memref<1x80xi32, #tpu.memory_space<vmem>>
        %dma_start3A_209 = tpu.memref_squeeze %dma_start3A_208 : memref<1x80xi32, #tpu.memory_space<vmem>> -> memref<80xi32, #tpu.memory_space<vmem>>
        %dma_start3A_210 = arith.constant 0 : i32
        %dma_start3A_211 = arith.constant 0 : i32
        %dma_start3A_212 = tpu.memref_slice %arg14[%dma_start3A_210, %dma_start3A_211] : memref<10240x128xf32, #tpu.memory_space<vmem_shared>> -> memref<10240x128xf32, #tpu.memory_space<vmem_shared>>
        tpu.enqueue_indirect_dma source(%arg11 : memref<80x128xf32, #tpu.memory_space<vmem>>) target(%dma_start3A_212 : memref<10240x128xf32, #tpu.memory_space<vmem_shared>>) offsets(%dma_start3A_209 : memref<80xi32, #tpu.memory_space<vmem>>) semaphore(%arg19 : memref<!tpu.dma_semaphore, #tpu.memory_space<semaphore_mem>>) {add = true}
        %add3A_213 = arith.constant 2 : i32
        %add3A_214 = arith.addi %add3A_153, %add3A_213 : i32
        %sub3A_215 = arith.constant 2 : i32
        %sub3A_216 = arith.subi %add3A_214, %sub3A_215 : i32
        %dma_wait3A_217 = arith.constant 0 : i32
        %dma_wait3A_218 = tpu.memref_slice %arg9[%sub3A_216, %dma_wait3A_217] : memref<25x80xi32, #tpu.memory_space<vmem>> -> memref<1x80xi32, #tpu.memory_space<vmem>>
        %dma_wait3A_219 = tpu.memref_squeeze %dma_wait3A_218 : memref<1x80xi32, #tpu.memory_space<vmem>> -> memref<80xi32, #tpu.memory_space<vmem>>
        %dma_wait3A_220 = arith.constant 0 : i32
        %dma_wait3A_221 = arith.constant 0 : i32
        %dma_wait3A_222 = tpu.memref_slice %arg14[%dma_wait3A_220, %dma_wait3A_221] : memref<10240x128xf32, #tpu.memory_space<vmem_shared>> -> memref<10240x128xf32, #tpu.memory_space<vmem_shared>>
        tpu.wait_indirect_dma semaphore(%arg18 : memref<!tpu.dma_semaphore, #tpu.memory_space<semaphore_mem>>) src(%arg10 : memref<80x128xf32, #tpu.memory_space<vmem>>) dst(%dma_wait3A_222 : memref<10240x128xf32, #tpu.memory_space<vmem_shared>>)
        %add3A_223 = arith.constant 1 : i32
        %add3A_224 = arith.addi %add3A_214, %add3A_223 : i32
        %dma_start3A_225 = arith.constant 0 : i32
        %dma_start3A_226 = tpu.memref_slice %arg8[%add3A_224, %dma_start3A_225] : memref<25x80xi32, #tpu.memory_space<vmem>> -> memref<1x80xi32, #tpu.memory_space<vmem>>
        %dma_start3A_227 = tpu.memref_squeeze %dma_start3A_226 : memref<1x80xi32, #tpu.memory_space<vmem>> -> memref<80xi32, #tpu.memory_space<vmem>>
        %dma_start3A_228 = arith.constant 0 : i32
        %dma_start3A_229 = arith.constant 0 : i32
        %dma_start3A_230 = tpu.memref_slice %arg2[%dma_start3A_228, %dma_start3A_229] : memref<80000x128xf32, #tpu.memory_space<hbm>> -> memref<80000x128xf32, #tpu.memory_space<hbm>>
        tpu.enqueue_indirect_dma source(%dma_start3A_230 : memref<80000x128xf32, #tpu.memory_space<hbm>>) target(%arg10 : memref<80x128xf32, #tpu.memory_space<vmem>>) offsets(%dma_start3A_227 : memref<80xi32, #tpu.memory_space<vmem>>) semaphore(%arg15 : memref<!tpu.dma_semaphore, #tpu.memory_space<semaphore_mem>>)
        %dma_wait3A_231 = arith.constant 0 : i32
        %dma_wait3A_232 = tpu.memref_slice %arg8[%add3A_214, %dma_wait3A_231] : memref<25x80xi32, #tpu.memory_space<vmem>> -> memref<1x80xi32, #tpu.memory_space<vmem>>
        %dma_wait3A_233 = tpu.memref_squeeze %dma_wait3A_232 : memref<1x80xi32, #tpu.memory_space<vmem>> -> memref<80xi32, #tpu.memory_space<vmem>>
        %dma_wait3A_234 = arith.constant 0 : i32
        %dma_wait3A_235 = arith.constant 0 : i32
        %dma_wait3A_236 = tpu.memref_slice %arg2[%dma_wait3A_234, %dma_wait3A_235] : memref<80000x128xf32, #tpu.memory_space<hbm>> -> memref<80000x128xf32, #tpu.memory_space<hbm>>
        tpu.wait_indirect_dma semaphore(%arg17 : memref<!tpu.dma_semaphore, #tpu.memory_space<semaphore_mem>>) src(%dma_wait3A_236 : memref<80000x128xf32, #tpu.memory_space<hbm>>) dst(%arg12 : memref<80x128xf32, #tpu.memory_space<vmem>>)
        %dma_start3A_237 = arith.constant 0 : i32
        %dma_start3A_238 = tpu.memref_slice %arg9[%add3A_214, %dma_start3A_237] : memref<25x80xi32, #tpu.memory_space<vmem>> -> memref<1x80xi32, #tpu.memory_space<vmem>>
        %dma_start3A_239 = tpu.memref_squeeze %dma_start3A_238 : memref<1x80xi32, #tpu.memory_space<vmem>> -> memref<80xi32, #tpu.memory_space<vmem>>
        %dma_start3A_240 = arith.constant 0 : i32
        %dma_start3A_241 = arith.constant 0 : i32
        %dma_start3A_242 = tpu.memref_slice %arg14[%dma_start3A_240, %dma_start3A_241] : memref<10240x128xf32, #tpu.memory_space<vmem_shared>> -> memref<10240x128xf32, #tpu.memory_space<vmem_shared>>
        tpu.enqueue_indirect_dma source(%arg12 : memref<80x128xf32, #tpu.memory_space<vmem>>) target(%dma_start3A_242 : memref<10240x128xf32, #tpu.memory_space<vmem_shared>>) offsets(%dma_start3A_239 : memref<80xi32, #tpu.memory_space<vmem>>) semaphore(%arg20 : memref<!tpu.dma_semaphore, #tpu.memory_space<semaphore_mem>>) {add = true}
      }
      %scan3A_113 = arith.constant 7 : i32
      %dma_wait3A_114 = arith.constant 22 : i32
      %dma_wait3A_115 = arith.constant 0 : i32
      %dma_wait3A_116 = tpu.memref_slice %arg9[%dma_wait3A_114, %dma_wait3A_115] : memref<25x80xi32, #tpu.memory_space<vmem>> -> memref<1x80xi32, #tpu.memory_space<vmem>>
      %dma_wait3A_117 = tpu.memref_squeeze %dma_wait3A_116 : memref<1x80xi32, #tpu.memory_space<vmem>> -> memref<80xi32, #tpu.memory_space<vmem>>
      %dma_wait3A_118 = arith.constant 0 : i32
      %dma_wait3A_119 = arith.constant 0 : i32
      %dma_wait3A_120 = tpu.memref_slice %arg14[%dma_wait3A_118, %dma_wait3A_119] : memref<10240x128xf32, #tpu.memory_space<vmem_shared>> -> memref<10240x128xf32, #tpu.memory_space<vmem_shared>>
      tpu.wait_indirect_dma semaphore(%arg19 : memref<!tpu.dma_semaphore, #tpu.memory_space<semaphore_mem>>) src(%arg11 : memref<80x128xf32, #tpu.memory_space<vmem>>) dst(%dma_wait3A_120 : memref<10240x128xf32, #tpu.memory_space<vmem_shared>>)
      %dma_wait3A_121 = arith.constant 24 : i32
      %dma_wait3A_122 = arith.constant 0 : i32
      %dma_wait3A_123 = tpu.memref_slice %arg8[%dma_wait3A_121, %dma_wait3A_122] : memref<25x80xi32, #tpu.memory_space<vmem>> -> memref<1x80xi32, #tpu.memory_space<vmem>>
      %dma_wait3A_124 = tpu.memref_squeeze %dma_wait3A_123 : memref<1x80xi32, #tpu.memory_space<vmem>> -> memref<80xi32, #tpu.memory_space<vmem>>
      %dma_wait3A_125 = arith.constant 0 : i32
      %dma_wait3A_126 = arith.constant 0 : i32
      %dma_wait3A_127 = tpu.memref_slice %arg2[%dma_wait3A_125, %dma_wait3A_126] : memref<80000x128xf32, #tpu.memory_space<hbm>> -> memref<80000x128xf32, #tpu.memory_space<hbm>>
      tpu.wait_indirect_dma semaphore(%arg15 : memref<!tpu.dma_semaphore, #tpu.memory_space<semaphore_mem>>) src(%dma_wait3A_127 : memref<80000x128xf32, #tpu.memory_space<hbm>>) dst(%arg10 : memref<80x128xf32, #tpu.memory_space<vmem>>)
      %dma_start3A_128 = arith.constant 24 : i32
      %dma_start3A_129 = arith.constant 0 : i32
      %dma_start3A_130 = tpu.memref_slice %arg9[%dma_start3A_128, %dma_start3A_129] : memref<25x80xi32, #tpu.memory_space<vmem>> -> memref<1x80xi32, #tpu.memory_space<vmem>>
      %dma_start3A_131 = tpu.memref_squeeze %dma_start3A_130 : memref<1x80xi32, #tpu.memory_space<vmem>> -> memref<80xi32, #tpu.memory_space<vmem>>
      %dma_start3A_132 = arith.constant 0 : i32
      %dma_start3A_133 = arith.constant 0 : i32
      %dma_start3A_134 = tpu.memref_slice %arg14[%dma_start3A_132, %dma_start3A_133] : memref<10240x128xf32, #tpu.memory_space<vmem_shared>> -> memref<10240x128xf32, #tpu.memory_space<vmem_shared>>
      tpu.enqueue_indirect_dma source(%arg10 : memref<80x128xf32, #tpu.memory_space<vmem>>) target(%dma_start3A_134 : memref<10240x128xf32, #tpu.memory_space<vmem_shared>>) offsets(%dma_start3A_131 : memref<80xi32, #tpu.memory_space<vmem>>) semaphore(%arg18 : memref<!tpu.dma_semaphore, #tpu.memory_space<semaphore_mem>>) {add = true}
      %dma_wait3A_135 = arith.constant 23 : i32
      %dma_wait3A_136 = arith.constant 0 : i32
      %dma_wait3A_137 = tpu.memref_slice %arg9[%dma_wait3A_135, %dma_wait3A_136] : memref<25x80xi32, #tpu.memory_space<vmem>> -> memref<1x80xi32, #tpu.memory_space<vmem>>
      %dma_wait3A_138 = tpu.memref_squeeze %dma_wait3A_137 : memref<1x80xi32, #tpu.memory_space<vmem>> -> memref<80xi32, #tpu.memory_space<vmem>>
      %dma_wait3A_139 = arith.constant 0 : i32
      %dma_wait3A_140 = arith.constant 0 : i32
      %dma_wait3A_141 = tpu.memref_slice %arg14[%dma_wait3A_139, %dma_wait3A_140] : memref<10240x128xf32, #tpu.memory_space<vmem_shared>> -> memref<10240x128xf32, #tpu.memory_space<vmem_shared>>
      tpu.wait_indirect_dma semaphore(%arg20 : memref<!tpu.dma_semaphore, #tpu.memory_space<semaphore_mem>>) src(%arg12 : memref<80x128xf32, #tpu.memory_space<vmem>>) dst(%dma_wait3A_141 : memref<10240x128xf32, #tpu.memory_space<vmem_shared>>)
      %dma_wait3A_142 = arith.constant 24 : i32
      %dma_wait3A_143 = arith.constant 0 : i32
      %dma_wait3A_144 = tpu.memref_slice %arg9[%dma_wait3A_142, %dma_wait3A_143] : memref<25x80xi32, #tpu.memory_space<vmem>> -> memref<1x80xi32, #tpu.memory_space<vmem>>
      %dma_wait3A_145 = tpu.memref_squeeze %dma_wait3A_144 : memref<1x80xi32, #tpu.memory_space<vmem>> -> memref<80xi32, #tpu.memory_space<vmem>>
      %dma_wait3A_146 = arith.constant 0 : i32
      %dma_wait3A_147 = arith.constant 0 : i32
      %dma_wait3A_148 = tpu.memref_slice %arg14[%dma_wait3A_146, %dma_wait3A_147] : memref<10240x128xf32, #tpu.memory_space<vmem_shared>> -> memref<10240x128xf32, #tpu.memory_space<vmem_shared>>
      tpu.wait_indirect_dma semaphore(%arg18 : memref<!tpu.dma_semaphore, #tpu.memory_space<semaphore_mem>>) src(%arg10 : memref<80x128xf32, #tpu.memory_space<vmem>>) dst(%dma_wait3A_148 : memref<10240x128xf32, #tpu.memory_space<vmem_shared>>)
    }
    %scan3A_22 = arith.constant 5 : i32
    %barrier3A_23 = arith.constant 0 : index
    tpu.barrier barrier_id(%barrier3A_23)
    "tpu.region"() ({
      %run_scoped3A = tpu.sem_alloc : memref<!tpu.dma_semaphore, #tpu.memory_space<semaphore_mem>>
      %dma_start3A = arith.constant 0 : i32
      %dma_start3A_24 = tpu.memref_slice %arg6[%arg0, %mul3A_2, %dma_start3A] : memref<2x10240x128xf32, #tpu.memory_space<hbm>> -> memref<1x640x128xf32, #tpu.memory_space<hbm>>
      %dma_start3A_25 = tpu.memref_squeeze %dma_start3A_24 : memref<1x640x128xf32, #tpu.memory_space<hbm>> -> memref<640x128xf32, #tpu.memory_space<hbm>>
      %dma_start3A_26 = arith.constant 0 : i32
      %dma_start3A_27 = tpu.memref_slice %arg14[%mul3A_2, %dma_start3A_26] : memref<10240x128xf32, #tpu.memory_space<vmem_shared>> -> memref<640x128xf32, #tpu.memory_space<vmem_shared>>
      tpu.enqueue_dma source(%dma_start3A_27 : memref<640x128xf32, #tpu.memory_space<vmem_shared>>) target(%dma_start3A_25 : memref<640x128xf32, #tpu.memory_space<hbm>>) target_semaphore(%run_scoped3A : memref<!tpu.dma_semaphore, #tpu.memory_space<semaphore_mem>>)
      %dma_wait3A = arith.constant 0 : i32
      %dma_wait3A_28 = tpu.memref_slice %arg6[%arg0, %mul3A_2, %dma_wait3A] : memref<2x10240x128xf32, #tpu.memory_space<hbm>> -> memref<1x640x128xf32, #tpu.memory_space<hbm>>
      %dma_wait3A_29 = tpu.memref_squeeze %dma_wait3A_28 : memref<1x640x128xf32, #tpu.memory_space<hbm>> -> memref<640x128xf32, #tpu.memory_space<hbm>>
      %dma_wait3A_30 = arith.constant 0 : i32
      %dma_wait3A_31 = tpu.memref_slice %arg14[%mul3A_2, %dma_wait3A_30] : memref<10240x128xf32, #tpu.memory_space<vmem_shared>> -> memref<640x128xf32, #tpu.memory_space<vmem_shared>>
      tpu.wait_dma2 semaphore(%run_scoped3A : memref<!tpu.dma_semaphore, #tpu.memory_space<semaphore_mem>>) src(%dma_wait3A_31 : memref<640x128xf32, #tpu.memory_space<vmem_shared>>) dst(%dma_wait3A_29 : memref<640x128xf32, #tpu.memory_space<hbm>>)
      tpu.yield
    }) : () -> ()
    return
  }
}

module attributes {stable_mosaic.version = 14 : i64} {
  func.func @_table_body(%arg0: i32, %arg1: memref<2000x128xf32, #tpu.memory_space<vmem>>, %arg2: memref<8x128x16xf32, #tpu.memory_space<vmem>>, %arg3: memref<8x2000x128xf32, #tpu.memory_space<vmem>>) attributes {dimension_semantics = [#tpu.dimension_semantics<arbitrary>], iteration_bounds = array<i64: 5>, scalar_prefetch = 0 : i64, scratch_operands = 0 : i64, tpu.core_type = #tpu.core_type<tc>, window_params = [{transform_indices = @transform_0, window_bounds = array<i64: 2000, 128>}, {pipeline_mode = #tpu.pipeline_mode<synchronous>, transform_indices = @transform_1, window_bounds = array<i64: 8, 128, 16>}, {transform_indices = @transform_2, window_bounds = array<i64: 8, 2000, 128>}]} {
    %iota3A = tpu.iota {dimensions = array<i32: 0>} : vector<128x16xi32>
    %jit3A = arith.constant 16 : i32
    %div3A = vector.broadcast %jit3A : i32 to vector<128x16xi32>
    %div3A_0 = arith.divsi %iota3A, %div3A : vector<128x16xi32>
    %sign3A = arith.constant 0 : i32
    %sign3A_1 = vector.broadcast %sign3A : i32 to vector<128x16xi32>
    %sign3A_2 = arith.cmpi sgt, %iota3A, %sign3A_1 : vector<128x16xi32>
    %sign3A_3 = arith.extui %sign3A_2 : vector<128x16xi1> to vector<128x16xi32>
    %sign3A_4 = arith.constant 0 : i32
    %sign3A_5 = vector.broadcast %sign3A_4 : i32 to vector<128x16xi32>
    %sign3A_6 = arith.cmpi slt, %iota3A, %sign3A_5 : vector<128x16xi32>
    %sign3A_7 = arith.extui %sign3A_6 : vector<128x16xi1> to vector<128x16xi32>
    %sign3A_8 = arith.subi %sign3A_3, %sign3A_7 : vector<128x16xi32>
    %sign3A_9 = arith.constant 0 : i32
    %sign3A_10 = arith.cmpi sgt, %jit3A, %sign3A_9 : i32
    %sign3A_11 = arith.extui %sign3A_10 : i1 to i32
    %sign3A_12 = arith.constant 0 : i32
    %sign3A_13 = arith.cmpi slt, %jit3A, %sign3A_12 : i32
    %sign3A_14 = arith.extui %sign3A_13 : i1 to i32
    %sign3A_15 = arith.subi %sign3A_11, %sign3A_14 : i32
    %ne3A = vector.broadcast %sign3A_15 : i32 to vector<128x16xi32>
    %ne3A_16 = arith.cmpi ne, %sign3A_8, %ne3A : vector<128x16xi32>
    %rem3A = vector.broadcast %jit3A : i32 to vector<128x16xi32>
    %rem3A_17 = arith.remsi %iota3A, %rem3A : vector<128x16xi32>
    %ne3A_18 = arith.constant 0 : i32
    %ne3A_19 = vector.broadcast %ne3A_18 : i32 to vector<128x16xi32>
    %ne3A_20 = arith.cmpi ne, %rem3A_17, %ne3A_19 : vector<128x16xi32>
    %and3A = arith.andi %ne3A_16, %ne3A_20 : vector<128x16xi1>
    %sub3A = arith.constant 1 : i32
    %sub3A_21 = vector.broadcast %sub3A : i32 to vector<128x16xi32>
    %sub3A_22 = arith.subi %div3A_0, %sub3A_21 : vector<128x16xi32>
    %select_n3A = arith.select %and3A, %sub3A_22, %div3A_0 : vector<128x16xi1>, vector<128x16xi32>
    %get3A = arith.constant 0 : index
    %get3A_23 = arith.constant 0 : index
    %get3A_24 = arith.constant 0 : index
    %get3A_25 = vector.load %arg2[%get3A, %get3A_23, %get3A_24] : memref<8x128x16xf32, #tpu.memory_space<vmem>>, vector<1x128x16xf32>
    %get3A_26 = vector.shape_cast %get3A_25 : vector<1x128x16xf32> to vector<128x16xf32>
    %eq3A = arith.constant 0 : i32
    %eq3A_27 = vector.broadcast %eq3A : i32 to vector<128x16xi32>
    %eq3A_28 = arith.cmpi eq, %select_n3A, %eq3A_27 : vector<128x16xi32>
    %jit3A_29 = arith.constant 0.000000e+00 : f32
    %broadcast_in_dim3A = vector.broadcast %jit3A_29 : f32 to vector<128x16xf32>
    %select_n3A_30 = arith.select %eq3A_28, %get3A_26, %broadcast_in_dim3A : vector<128x16xi1>, vector<128x16xf32>
    %eq3A_31 = arith.constant 1 : i32
    %eq3A_32 = vector.broadcast %eq3A_31 : i32 to vector<128x16xi32>
    %eq3A_33 = arith.cmpi eq, %select_n3A, %eq3A_32 : vector<128x16xi32>
    %jit3A_34 = arith.constant 0.000000e+00 : f32
    %broadcast_in_dim3A_35 = vector.broadcast %jit3A_34 : f32 to vector<128x16xf32>
    %select_n3A_36 = arith.select %eq3A_33, %get3A_26, %broadcast_in_dim3A_35 : vector<128x16xi1>, vector<128x16xf32>
    %eq3A_37 = arith.constant 2 : i32
    %eq3A_38 = vector.broadcast %eq3A_37 : i32 to vector<128x16xi32>
    %eq3A_39 = arith.cmpi eq, %select_n3A, %eq3A_38 : vector<128x16xi32>
    %jit3A_40 = arith.constant 0.000000e+00 : f32
    %broadcast_in_dim3A_41 = vector.broadcast %jit3A_40 : f32 to vector<128x16xf32>
    %select_n3A_42 = arith.select %eq3A_39, %get3A_26, %broadcast_in_dim3A_41 : vector<128x16xi1>, vector<128x16xf32>
    %eq3A_43 = arith.constant 3 : i32
    %eq3A_44 = vector.broadcast %eq3A_43 : i32 to vector<128x16xi32>
    %eq3A_45 = arith.cmpi eq, %select_n3A, %eq3A_44 : vector<128x16xi32>
    %jit3A_46 = arith.constant 0.000000e+00 : f32
    %broadcast_in_dim3A_47 = vector.broadcast %jit3A_46 : f32 to vector<128x16xf32>
    %select_n3A_48 = arith.select %eq3A_45, %get3A_26, %broadcast_in_dim3A_47 : vector<128x16xi1>, vector<128x16xf32>
    %eq3A_49 = arith.constant 4 : i32
    %eq3A_50 = vector.broadcast %eq3A_49 : i32 to vector<128x16xi32>
    %eq3A_51 = arith.cmpi eq, %select_n3A, %eq3A_50 : vector<128x16xi32>
    %jit3A_52 = arith.constant 0.000000e+00 : f32
    %broadcast_in_dim3A_53 = vector.broadcast %jit3A_52 : f32 to vector<128x16xf32>
    %select_n3A_54 = arith.select %eq3A_51, %get3A_26, %broadcast_in_dim3A_53 : vector<128x16xi1>, vector<128x16xf32>
    %eq3A_55 = arith.constant 5 : i32
    %eq3A_56 = vector.broadcast %eq3A_55 : i32 to vector<128x16xi32>
    %eq3A_57 = arith.cmpi eq, %select_n3A, %eq3A_56 : vector<128x16xi32>
    %jit3A_58 = arith.constant 0.000000e+00 : f32
    %broadcast_in_dim3A_59 = vector.broadcast %jit3A_58 : f32 to vector<128x16xf32>
    %select_n3A_60 = arith.select %eq3A_57, %get3A_26, %broadcast_in_dim3A_59 : vector<128x16xi1>, vector<128x16xf32>
    %eq3A_61 = arith.constant 6 : i32
    %eq3A_62 = vector.broadcast %eq3A_61 : i32 to vector<128x16xi32>
    %eq3A_63 = arith.cmpi eq, %select_n3A, %eq3A_62 : vector<128x16xi32>
    %jit3A_64 = arith.constant 0.000000e+00 : f32
    %broadcast_in_dim3A_65 = vector.broadcast %jit3A_64 : f32 to vector<128x16xf32>
    %select_n3A_66 = arith.select %eq3A_63, %get3A_26, %broadcast_in_dim3A_65 : vector<128x16xi1>, vector<128x16xf32>
    %eq3A_67 = arith.constant 7 : i32
    %eq3A_68 = vector.broadcast %eq3A_67 : i32 to vector<128x16xi32>
    %eq3A_69 = arith.cmpi eq, %select_n3A, %eq3A_68 : vector<128x16xi32>
    %jit3A_70 = arith.constant 0.000000e+00 : f32
    %broadcast_in_dim3A_71 = vector.broadcast %jit3A_70 : f32 to vector<128x16xf32>
    %select_n3A_72 = arith.select %eq3A_69, %get3A_26, %broadcast_in_dim3A_71 : vector<128x16xi1>, vector<128x16xf32>
    %get3A_73 = arith.constant 1 : index
    %get3A_74 = arith.constant 0 : index
    %get3A_75 = arith.constant 0 : index
    %get3A_76 = vector.load %arg2[%get3A_73, %get3A_74, %get3A_75] : memref<8x128x16xf32, #tpu.memory_space<vmem>>, vector<1x128x16xf32>
    %get3A_77 = vector.shape_cast %get3A_76 : vector<1x128x16xf32> to vector<128x16xf32>
    %eq3A_78 = arith.constant 0 : i32
    %eq3A_79 = vector.broadcast %eq3A_78 : i32 to vector<128x16xi32>
    %eq3A_80 = arith.cmpi eq, %select_n3A, %eq3A_79 : vector<128x16xi32>
    %jit3A_81 = arith.constant 0.000000e+00 : f32
    %broadcast_in_dim3A_82 = vector.broadcast %jit3A_81 : f32 to vector<128x16xf32>
    %select_n3A_83 = arith.select %eq3A_80, %get3A_77, %broadcast_in_dim3A_82 : vector<128x16xi1>, vector<128x16xf32>
    %eq3A_84 = arith.constant 1 : i32
    %eq3A_85 = vector.broadcast %eq3A_84 : i32 to vector<128x16xi32>
    %eq3A_86 = arith.cmpi eq, %select_n3A, %eq3A_85 : vector<128x16xi32>
    %jit3A_87 = arith.constant 0.000000e+00 : f32
    %broadcast_in_dim3A_88 = vector.broadcast %jit3A_87 : f32 to vector<128x16xf32>
    %select_n3A_89 = arith.select %eq3A_86, %get3A_77, %broadcast_in_dim3A_88 : vector<128x16xi1>, vector<128x16xf32>
    %eq3A_90 = arith.constant 2 : i32
    %eq3A_91 = vector.broadcast %eq3A_90 : i32 to vector<128x16xi32>
    %eq3A_92 = arith.cmpi eq, %select_n3A, %eq3A_91 : vector<128x16xi32>
    %jit3A_93 = arith.constant 0.000000e+00 : f32
    %broadcast_in_dim3A_94 = vector.broadcast %jit3A_93 : f32 to vector<128x16xf32>
    %select_n3A_95 = arith.select %eq3A_92, %get3A_77, %broadcast_in_dim3A_94 : vector<128x16xi1>, vector<128x16xf32>
    %eq3A_96 = arith.constant 3 : i32
    %eq3A_97 = vector.broadcast %eq3A_96 : i32 to vector<128x16xi32>
    %eq3A_98 = arith.cmpi eq, %select_n3A, %eq3A_97 : vector<128x16xi32>
    %jit3A_99 = arith.constant 0.000000e+00 : f32
    %broadcast_in_dim3A_100 = vector.broadcast %jit3A_99 : f32 to vector<128x16xf32>
    %select_n3A_101 = arith.select %eq3A_98, %get3A_77, %broadcast_in_dim3A_100 : vector<128x16xi1>, vector<128x16xf32>
    %eq3A_102 = arith.constant 4 : i32
    %eq3A_103 = vector.broadcast %eq3A_102 : i32 to vector<128x16xi32>
    %eq3A_104 = arith.cmpi eq, %select_n3A, %eq3A_103 : vector<128x16xi32>
    %jit3A_105 = arith.constant 0.000000e+00 : f32
    %broadcast_in_dim3A_106 = vector.broadcast %jit3A_105 : f32 to vector<128x16xf32>
    %select_n3A_107 = arith.select %eq3A_104, %get3A_77, %broadcast_in_dim3A_106 : vector<128x16xi1>, vector<128x16xf32>
    %eq3A_108 = arith.constant 5 : i32
    %eq3A_109 = vector.broadcast %eq3A_108 : i32 to vector<128x16xi32>
    %eq3A_110 = arith.cmpi eq, %select_n3A, %eq3A_109 : vector<128x16xi32>
    %jit3A_111 = arith.constant 0.000000e+00 : f32
    %broadcast_in_dim3A_112 = vector.broadcast %jit3A_111 : f32 to vector<128x16xf32>
    %select_n3A_113 = arith.select %eq3A_110, %get3A_77, %broadcast_in_dim3A_112 : vector<128x16xi1>, vector<128x16xf32>
    %eq3A_114 = arith.constant 6 : i32
    %eq3A_115 = vector.broadcast %eq3A_114 : i32 to vector<128x16xi32>
    %eq3A_116 = arith.cmpi eq, %select_n3A, %eq3A_115 : vector<128x16xi32>
    %jit3A_117 = arith.constant 0.000000e+00 : f32
    %broadcast_in_dim3A_118 = vector.broadcast %jit3A_117 : f32 to vector<128x16xf32>
    %select_n3A_119 = arith.select %eq3A_116, %get3A_77, %broadcast_in_dim3A_118 : vector<128x16xi1>, vector<128x16xf32>
    %eq3A_120 = arith.constant 7 : i32
    %eq3A_121 = vector.broadcast %eq3A_120 : i32 to vector<128x16xi32>
    %eq3A_122 = arith.cmpi eq, %select_n3A, %eq3A_121 : vector<128x16xi32>
    %jit3A_123 = arith.constant 0.000000e+00 : f32
    %broadcast_in_dim3A_124 = vector.broadcast %jit3A_123 : f32 to vector<128x16xf32>
    %select_n3A_125 = arith.select %eq3A_122, %get3A_77, %broadcast_in_dim3A_124 : vector<128x16xi1>, vector<128x16xf32>
    %get3A_126 = arith.constant 2 : index
    %get3A_127 = arith.constant 0 : index
    %get3A_128 = arith.constant 0 : index
    %get3A_129 = vector.load %arg2[%get3A_126, %get3A_127, %get3A_128] : memref<8x128x16xf32, #tpu.memory_space<vmem>>, vector<1x128x16xf32>
    %get3A_130 = vector.shape_cast %get3A_129 : vector<1x128x16xf32> to vector<128x16xf32>
    %eq3A_131 = arith.constant 0 : i32
    %eq3A_132 = vector.broadcast %eq3A_131 : i32 to vector<128x16xi32>
    %eq3A_133 = arith.cmpi eq, %select_n3A, %eq3A_132 : vector<128x16xi32>
    %jit3A_134 = arith.constant 0.000000e+00 : f32
    %broadcast_in_dim3A_135 = vector.broadcast %jit3A_134 : f32 to vector<128x16xf32>
    %select_n3A_136 = arith.select %eq3A_133, %get3A_130, %broadcast_in_dim3A_135 : vector<128x16xi1>, vector<128x16xf32>
    %eq3A_137 = arith.constant 1 : i32
    %eq3A_138 = vector.broadcast %eq3A_137 : i32 to vector<128x16xi32>
    %eq3A_139 = arith.cmpi eq, %select_n3A, %eq3A_138 : vector<128x16xi32>
    %jit3A_140 = arith.constant 0.000000e+00 : f32
    %broadcast_in_dim3A_141 = vector.broadcast %jit3A_140 : f32 to vector<128x16xf32>
    %select_n3A_142 = arith.select %eq3A_139, %get3A_130, %broadcast_in_dim3A_141 : vector<128x16xi1>, vector<128x16xf32>
    %eq3A_143 = arith.constant 2 : i32
    %eq3A_144 = vector.broadcast %eq3A_143 : i32 to vector<128x16xi32>
    %eq3A_145 = arith.cmpi eq, %select_n3A, %eq3A_144 : vector<128x16xi32>
    %jit3A_146 = arith.constant 0.000000e+00 : f32
    %broadcast_in_dim3A_147 = vector.broadcast %jit3A_146 : f32 to vector<128x16xf32>
    %select_n3A_148 = arith.select %eq3A_145, %get3A_130, %broadcast_in_dim3A_147 : vector<128x16xi1>, vector<128x16xf32>
    %eq3A_149 = arith.constant 3 : i32
    %eq3A_150 = vector.broadcast %eq3A_149 : i32 to vector<128x16xi32>
    %eq3A_151 = arith.cmpi eq, %select_n3A, %eq3A_150 : vector<128x16xi32>
    %jit3A_152 = arith.constant 0.000000e+00 : f32
    %broadcast_in_dim3A_153 = vector.broadcast %jit3A_152 : f32 to vector<128x16xf32>
    %select_n3A_154 = arith.select %eq3A_151, %get3A_130, %broadcast_in_dim3A_153 : vector<128x16xi1>, vector<128x16xf32>
    %eq3A_155 = arith.constant 4 : i32
    %eq3A_156 = vector.broadcast %eq3A_155 : i32 to vector<128x16xi32>
    %eq3A_157 = arith.cmpi eq, %select_n3A, %eq3A_156 : vector<128x16xi32>
    %jit3A_158 = arith.constant 0.000000e+00 : f32
    %broadcast_in_dim3A_159 = vector.broadcast %jit3A_158 : f32 to vector<128x16xf32>
    %select_n3A_160 = arith.select %eq3A_157, %get3A_130, %broadcast_in_dim3A_159 : vector<128x16xi1>, vector<128x16xf32>
    %eq3A_161 = arith.constant 5 : i32
    %eq3A_162 = vector.broadcast %eq3A_161 : i32 to vector<128x16xi32>
    %eq3A_163 = arith.cmpi eq, %select_n3A, %eq3A_162 : vector<128x16xi32>
    %jit3A_164 = arith.constant 0.000000e+00 : f32
    %broadcast_in_dim3A_165 = vector.broadcast %jit3A_164 : f32 to vector<128x16xf32>
    %select_n3A_166 = arith.select %eq3A_163, %get3A_130, %broadcast_in_dim3A_165 : vector<128x16xi1>, vector<128x16xf32>
    %eq3A_167 = arith.constant 6 : i32
    %eq3A_168 = vector.broadcast %eq3A_167 : i32 to vector<128x16xi32>
    %eq3A_169 = arith.cmpi eq, %select_n3A, %eq3A_168 : vector<128x16xi32>
    %jit3A_170 = arith.constant 0.000000e+00 : f32
    %broadcast_in_dim3A_171 = vector.broadcast %jit3A_170 : f32 to vector<128x16xf32>
    %select_n3A_172 = arith.select %eq3A_169, %get3A_130, %broadcast_in_dim3A_171 : vector<128x16xi1>, vector<128x16xf32>
    %eq3A_173 = arith.constant 7 : i32
    %eq3A_174 = vector.broadcast %eq3A_173 : i32 to vector<128x16xi32>
    %eq3A_175 = arith.cmpi eq, %select_n3A, %eq3A_174 : vector<128x16xi32>
    %jit3A_176 = arith.constant 0.000000e+00 : f32
    %broadcast_in_dim3A_177 = vector.broadcast %jit3A_176 : f32 to vector<128x16xf32>
    %select_n3A_178 = arith.select %eq3A_175, %get3A_130, %broadcast_in_dim3A_177 : vector<128x16xi1>, vector<128x16xf32>
    %get3A_179 = arith.constant 3 : index
    %get3A_180 = arith.constant 0 : index
    %get3A_181 = arith.constant 0 : index
    %get3A_182 = vector.load %arg2[%get3A_179, %get3A_180, %get3A_181] : memref<8x128x16xf32, #tpu.memory_space<vmem>>, vector<1x128x16xf32>
    %get3A_183 = vector.shape_cast %get3A_182 : vector<1x128x16xf32> to vector<128x16xf32>
    %eq3A_184 = arith.constant 0 : i32
    %eq3A_185 = vector.broadcast %eq3A_184 : i32 to vector<128x16xi32>
    %eq3A_186 = arith.cmpi eq, %select_n3A, %eq3A_185 : vector<128x16xi32>
    %jit3A_187 = arith.constant 0.000000e+00 : f32
    %broadcast_in_dim3A_188 = vector.broadcast %jit3A_187 : f32 to vector<128x16xf32>
    %select_n3A_189 = arith.select %eq3A_186, %get3A_183, %broadcast_in_dim3A_188 : vector<128x16xi1>, vector<128x16xf32>
    %eq3A_190 = arith.constant 1 : i32
    %eq3A_191 = vector.broadcast %eq3A_190 : i32 to vector<128x16xi32>
    %eq3A_192 = arith.cmpi eq, %select_n3A, %eq3A_191 : vector<128x16xi32>
    %jit3A_193 = arith.constant 0.000000e+00 : f32
    %broadcast_in_dim3A_194 = vector.broadcast %jit3A_193 : f32 to vector<128x16xf32>
    %select_n3A_195 = arith.select %eq3A_192, %get3A_183, %broadcast_in_dim3A_194 : vector<128x16xi1>, vector<128x16xf32>
    %eq3A_196 = arith.constant 2 : i32
    %eq3A_197 = vector.broadcast %eq3A_196 : i32 to vector<128x16xi32>
    %eq3A_198 = arith.cmpi eq, %select_n3A, %eq3A_197 : vector<128x16xi32>
    %jit3A_199 = arith.constant 0.000000e+00 : f32
    %broadcast_in_dim3A_200 = vector.broadcast %jit3A_199 : f32 to vector<128x16xf32>
    %select_n3A_201 = arith.select %eq3A_198, %get3A_183, %broadcast_in_dim3A_200 : vector<128x16xi1>, vector<128x16xf32>
    %eq3A_202 = arith.constant 3 : i32
    %eq3A_203 = vector.broadcast %eq3A_202 : i32 to vector<128x16xi32>
    %eq3A_204 = arith.cmpi eq, %select_n3A, %eq3A_203 : vector<128x16xi32>
    %jit3A_205 = arith.constant 0.000000e+00 : f32
    %broadcast_in_dim3A_206 = vector.broadcast %jit3A_205 : f32 to vector<128x16xf32>
    %select_n3A_207 = arith.select %eq3A_204, %get3A_183, %broadcast_in_dim3A_206 : vector<128x16xi1>, vector<128x16xf32>
    %eq3A_208 = arith.constant 4 : i32
    %eq3A_209 = vector.broadcast %eq3A_208 : i32 to vector<128x16xi32>
    %eq3A_210 = arith.cmpi eq, %select_n3A, %eq3A_209 : vector<128x16xi32>
    %jit3A_211 = arith.constant 0.000000e+00 : f32
    %broadcast_in_dim3A_212 = vector.broadcast %jit3A_211 : f32 to vector<128x16xf32>
    %select_n3A_213 = arith.select %eq3A_210, %get3A_183, %broadcast_in_dim3A_212 : vector<128x16xi1>, vector<128x16xf32>
    %eq3A_214 = arith.constant 5 : i32
    %eq3A_215 = vector.broadcast %eq3A_214 : i32 to vector<128x16xi32>
    %eq3A_216 = arith.cmpi eq, %select_n3A, %eq3A_215 : vector<128x16xi32>
    %jit3A_217 = arith.constant 0.000000e+00 : f32
    %broadcast_in_dim3A_218 = vector.broadcast %jit3A_217 : f32 to vector<128x16xf32>
    %select_n3A_219 = arith.select %eq3A_216, %get3A_183, %broadcast_in_dim3A_218 : vector<128x16xi1>, vector<128x16xf32>
    %eq3A_220 = arith.constant 6 : i32
    %eq3A_221 = vector.broadcast %eq3A_220 : i32 to vector<128x16xi32>
    %eq3A_222 = arith.cmpi eq, %select_n3A, %eq3A_221 : vector<128x16xi32>
    %jit3A_223 = arith.constant 0.000000e+00 : f32
    %broadcast_in_dim3A_224 = vector.broadcast %jit3A_223 : f32 to vector<128x16xf32>
    %select_n3A_225 = arith.select %eq3A_222, %get3A_183, %broadcast_in_dim3A_224 : vector<128x16xi1>, vector<128x16xf32>
    %eq3A_226 = arith.constant 7 : i32
    %eq3A_227 = vector.broadcast %eq3A_226 : i32 to vector<128x16xi32>
    %eq3A_228 = arith.cmpi eq, %select_n3A, %eq3A_227 : vector<128x16xi32>
    %jit3A_229 = arith.constant 0.000000e+00 : f32
    %broadcast_in_dim3A_230 = vector.broadcast %jit3A_229 : f32 to vector<128x16xf32>
    %select_n3A_231 = arith.select %eq3A_228, %get3A_183, %broadcast_in_dim3A_230 : vector<128x16xi1>, vector<128x16xf32>
    %get3A_232 = arith.constant 4 : index
    %get3A_233 = arith.constant 0 : index
    %get3A_234 = arith.constant 0 : index
    %get3A_235 = vector.load %arg2[%get3A_232, %get3A_233, %get3A_234] : memref<8x128x16xf32, #tpu.memory_space<vmem>>, vector<1x128x16xf32>
    %get3A_236 = vector.shape_cast %get3A_235 : vector<1x128x16xf32> to vector<128x16xf32>
    %eq3A_237 = arith.constant 0 : i32
    %eq3A_238 = vector.broadcast %eq3A_237 : i32 to vector<128x16xi32>
    %eq3A_239 = arith.cmpi eq, %select_n3A, %eq3A_238 : vector<128x16xi32>
    %jit3A_240 = arith.constant 0.000000e+00 : f32
    %broadcast_in_dim3A_241 = vector.broadcast %jit3A_240 : f32 to vector<128x16xf32>
    %select_n3A_242 = arith.select %eq3A_239, %get3A_236, %broadcast_in_dim3A_241 : vector<128x16xi1>, vector<128x16xf32>
    %eq3A_243 = arith.constant 1 : i32
    %eq3A_244 = vector.broadcast %eq3A_243 : i32 to vector<128x16xi32>
    %eq3A_245 = arith.cmpi eq, %select_n3A, %eq3A_244 : vector<128x16xi32>
    %jit3A_246 = arith.constant 0.000000e+00 : f32
    %broadcast_in_dim3A_247 = vector.broadcast %jit3A_246 : f32 to vector<128x16xf32>
    %select_n3A_248 = arith.select %eq3A_245, %get3A_236, %broadcast_in_dim3A_247 : vector<128x16xi1>, vector<128x16xf32>
    %eq3A_249 = arith.constant 2 : i32
    %eq3A_250 = vector.broadcast %eq3A_249 : i32 to vector<128x16xi32>
    %eq3A_251 = arith.cmpi eq, %select_n3A, %eq3A_250 : vector<128x16xi32>
    %jit3A_252 = arith.constant 0.000000e+00 : f32
    %broadcast_in_dim3A_253 = vector.broadcast %jit3A_252 : f32 to vector<128x16xf32>
    %select_n3A_254 = arith.select %eq3A_251, %get3A_236, %broadcast_in_dim3A_253 : vector<128x16xi1>, vector<128x16xf32>
    %eq3A_255 = arith.constant 3 : i32
    %eq3A_256 = vector.broadcast %eq3A_255 : i32 to vector<128x16xi32>
    %eq3A_257 = arith.cmpi eq, %select_n3A, %eq3A_256 : vector<128x16xi32>
    %jit3A_258 = arith.constant 0.000000e+00 : f32
    %broadcast_in_dim3A_259 = vector.broadcast %jit3A_258 : f32 to vector<128x16xf32>
    %select_n3A_260 = arith.select %eq3A_257, %get3A_236, %broadcast_in_dim3A_259 : vector<128x16xi1>, vector<128x16xf32>
    %eq3A_261 = arith.constant 4 : i32
    %eq3A_262 = vector.broadcast %eq3A_261 : i32 to vector<128x16xi32>
    %eq3A_263 = arith.cmpi eq, %select_n3A, %eq3A_262 : vector<128x16xi32>
    %jit3A_264 = arith.constant 0.000000e+00 : f32
    %broadcast_in_dim3A_265 = vector.broadcast %jit3A_264 : f32 to vector<128x16xf32>
    %select_n3A_266 = arith.select %eq3A_263, %get3A_236, %broadcast_in_dim3A_265 : vector<128x16xi1>, vector<128x16xf32>
    %eq3A_267 = arith.constant 5 : i32
    %eq3A_268 = vector.broadcast %eq3A_267 : i32 to vector<128x16xi32>
    %eq3A_269 = arith.cmpi eq, %select_n3A, %eq3A_268 : vector<128x16xi32>
    %jit3A_270 = arith.constant 0.000000e+00 : f32
    %broadcast_in_dim3A_271 = vector.broadcast %jit3A_270 : f32 to vector<128x16xf32>
    %select_n3A_272 = arith.select %eq3A_269, %get3A_236, %broadcast_in_dim3A_271 : vector<128x16xi1>, vector<128x16xf32>
    %eq3A_273 = arith.constant 6 : i32
    %eq3A_274 = vector.broadcast %eq3A_273 : i32 to vector<128x16xi32>
    %eq3A_275 = arith.cmpi eq, %select_n3A, %eq3A_274 : vector<128x16xi32>
    %jit3A_276 = arith.constant 0.000000e+00 : f32
    %broadcast_in_dim3A_277 = vector.broadcast %jit3A_276 : f32 to vector<128x16xf32>
    %select_n3A_278 = arith.select %eq3A_275, %get3A_236, %broadcast_in_dim3A_277 : vector<128x16xi1>, vector<128x16xf32>
    %eq3A_279 = arith.constant 7 : i32
    %eq3A_280 = vector.broadcast %eq3A_279 : i32 to vector<128x16xi32>
    %eq3A_281 = arith.cmpi eq, %select_n3A, %eq3A_280 : vector<128x16xi32>
    %jit3A_282 = arith.constant 0.000000e+00 : f32
    %broadcast_in_dim3A_283 = vector.broadcast %jit3A_282 : f32 to vector<128x16xf32>
    %select_n3A_284 = arith.select %eq3A_281, %get3A_236, %broadcast_in_dim3A_283 : vector<128x16xi1>, vector<128x16xf32>
    %get3A_285 = arith.constant 5 : index
    %get3A_286 = arith.constant 0 : index
    %get3A_287 = arith.constant 0 : index
    %get3A_288 = vector.load %arg2[%get3A_285, %get3A_286, %get3A_287] : memref<8x128x16xf32, #tpu.memory_space<vmem>>, vector<1x128x16xf32>
    %get3A_289 = vector.shape_cast %get3A_288 : vector<1x128x16xf32> to vector<128x16xf32>
    %eq3A_290 = arith.constant 0 : i32
    %eq3A_291 = vector.broadcast %eq3A_290 : i32 to vector<128x16xi32>
    %eq3A_292 = arith.cmpi eq, %select_n3A, %eq3A_291 : vector<128x16xi32>
    %jit3A_293 = arith.constant 0.000000e+00 : f32
    %broadcast_in_dim3A_294 = vector.broadcast %jit3A_293 : f32 to vector<128x16xf32>
    %select_n3A_295 = arith.select %eq3A_292, %get3A_289, %broadcast_in_dim3A_294 : vector<128x16xi1>, vector<128x16xf32>
    %eq3A_296 = arith.constant 1 : i32
    %eq3A_297 = vector.broadcast %eq3A_296 : i32 to vector<128x16xi32>
    %eq3A_298 = arith.cmpi eq, %select_n3A, %eq3A_297 : vector<128x16xi32>
    %jit3A_299 = arith.constant 0.000000e+00 : f32
    %broadcast_in_dim3A_300 = vector.broadcast %jit3A_299 : f32 to vector<128x16xf32>
    %select_n3A_301 = arith.select %eq3A_298, %get3A_289, %broadcast_in_dim3A_300 : vector<128x16xi1>, vector<128x16xf32>
    %eq3A_302 = arith.constant 2 : i32
    %eq3A_303 = vector.broadcast %eq3A_302 : i32 to vector<128x16xi32>
    %eq3A_304 = arith.cmpi eq, %select_n3A, %eq3A_303 : vector<128x16xi32>
    %jit3A_305 = arith.constant 0.000000e+00 : f32
    %broadcast_in_dim3A_306 = vector.broadcast %jit3A_305 : f32 to vector<128x16xf32>
    %select_n3A_307 = arith.select %eq3A_304, %get3A_289, %broadcast_in_dim3A_306 : vector<128x16xi1>, vector<128x16xf32>
    %eq3A_308 = arith.constant 3 : i32
    %eq3A_309 = vector.broadcast %eq3A_308 : i32 to vector<128x16xi32>
    %eq3A_310 = arith.cmpi eq, %select_n3A, %eq3A_309 : vector<128x16xi32>
    %jit3A_311 = arith.constant 0.000000e+00 : f32
    %broadcast_in_dim3A_312 = vector.broadcast %jit3A_311 : f32 to vector<128x16xf32>
    %select_n3A_313 = arith.select %eq3A_310, %get3A_289, %broadcast_in_dim3A_312 : vector<128x16xi1>, vector<128x16xf32>
    %eq3A_314 = arith.constant 4 : i32
    %eq3A_315 = vector.broadcast %eq3A_314 : i32 to vector<128x16xi32>
    %eq3A_316 = arith.cmpi eq, %select_n3A, %eq3A_315 : vector<128x16xi32>
    %jit3A_317 = arith.constant 0.000000e+00 : f32
    %broadcast_in_dim3A_318 = vector.broadcast %jit3A_317 : f32 to vector<128x16xf32>
    %select_n3A_319 = arith.select %eq3A_316, %get3A_289, %broadcast_in_dim3A_318 : vector<128x16xi1>, vector<128x16xf32>
    %eq3A_320 = arith.constant 5 : i32
    %eq3A_321 = vector.broadcast %eq3A_320 : i32 to vector<128x16xi32>
    %eq3A_322 = arith.cmpi eq, %select_n3A, %eq3A_321 : vector<128x16xi32>
    %jit3A_323 = arith.constant 0.000000e+00 : f32
    %broadcast_in_dim3A_324 = vector.broadcast %jit3A_323 : f32 to vector<128x16xf32>
    %select_n3A_325 = arith.select %eq3A_322, %get3A_289, %broadcast_in_dim3A_324 : vector<128x16xi1>, vector<128x16xf32>
    %eq3A_326 = arith.constant 6 : i32
    %eq3A_327 = vector.broadcast %eq3A_326 : i32 to vector<128x16xi32>
    %eq3A_328 = arith.cmpi eq, %select_n3A, %eq3A_327 : vector<128x16xi32>
    %jit3A_329 = arith.constant 0.000000e+00 : f32
    %broadcast_in_dim3A_330 = vector.broadcast %jit3A_329 : f32 to vector<128x16xf32>
    %select_n3A_331 = arith.select %eq3A_328, %get3A_289, %broadcast_in_dim3A_330 : vector<128x16xi1>, vector<128x16xf32>
    %eq3A_332 = arith.constant 7 : i32
    %eq3A_333 = vector.broadcast %eq3A_332 : i32 to vector<128x16xi32>
    %eq3A_334 = arith.cmpi eq, %select_n3A, %eq3A_333 : vector<128x16xi32>
    %jit3A_335 = arith.constant 0.000000e+00 : f32
    %broadcast_in_dim3A_336 = vector.broadcast %jit3A_335 : f32 to vector<128x16xf32>
    %select_n3A_337 = arith.select %eq3A_334, %get3A_289, %broadcast_in_dim3A_336 : vector<128x16xi1>, vector<128x16xf32>
    %get3A_338 = arith.constant 6 : index
    %get3A_339 = arith.constant 0 : index
    %get3A_340 = arith.constant 0 : index
    %get3A_341 = vector.load %arg2[%get3A_338, %get3A_339, %get3A_340] : memref<8x128x16xf32, #tpu.memory_space<vmem>>, vector<1x128x16xf32>
    %get3A_342 = vector.shape_cast %get3A_341 : vector<1x128x16xf32> to vector<128x16xf32>
    %eq3A_343 = arith.constant 0 : i32
    %eq3A_344 = vector.broadcast %eq3A_343 : i32 to vector<128x16xi32>
    %eq3A_345 = arith.cmpi eq, %select_n3A, %eq3A_344 : vector<128x16xi32>
    %jit3A_346 = arith.constant 0.000000e+00 : f32
    %broadcast_in_dim3A_347 = vector.broadcast %jit3A_346 : f32 to vector<128x16xf32>
    %select_n3A_348 = arith.select %eq3A_345, %get3A_342, %broadcast_in_dim3A_347 : vector<128x16xi1>, vector<128x16xf32>
    %eq3A_349 = arith.constant 1 : i32
    %eq3A_350 = vector.broadcast %eq3A_349 : i32 to vector<128x16xi32>
    %eq3A_351 = arith.cmpi eq, %select_n3A, %eq3A_350 : vector<128x16xi32>
    %jit3A_352 = arith.constant 0.000000e+00 : f32
    %broadcast_in_dim3A_353 = vector.broadcast %jit3A_352 : f32 to vector<128x16xf32>
    %select_n3A_354 = arith.select %eq3A_351, %get3A_342, %broadcast_in_dim3A_353 : vector<128x16xi1>, vector<128x16xf32>
    %eq3A_355 = arith.constant 2 : i32
    %eq3A_356 = vector.broadcast %eq3A_355 : i32 to vector<128x16xi32>
    %eq3A_357 = arith.cmpi eq, %select_n3A, %eq3A_356 : vector<128x16xi32>
    %jit3A_358 = arith.constant 0.000000e+00 : f32
    %broadcast_in_dim3A_359 = vector.broadcast %jit3A_358 : f32 to vector<128x16xf32>
    %select_n3A_360 = arith.select %eq3A_357, %get3A_342, %broadcast_in_dim3A_359 : vector<128x16xi1>, vector<128x16xf32>
    %eq3A_361 = arith.constant 3 : i32
    %eq3A_362 = vector.broadcast %eq3A_361 : i32 to vector<128x16xi32>
    %eq3A_363 = arith.cmpi eq, %select_n3A, %eq3A_362 : vector<128x16xi32>
    %jit3A_364 = arith.constant 0.000000e+00 : f32
    %broadcast_in_dim3A_365 = vector.broadcast %jit3A_364 : f32 to vector<128x16xf32>
    %select_n3A_366 = arith.select %eq3A_363, %get3A_342, %broadcast_in_dim3A_365 : vector<128x16xi1>, vector<128x16xf32>
    %eq3A_367 = arith.constant 4 : i32
    %eq3A_368 = vector.broadcast %eq3A_367 : i32 to vector<128x16xi32>
    %eq3A_369 = arith.cmpi eq, %select_n3A, %eq3A_368 : vector<128x16xi32>
    %jit3A_370 = arith.constant 0.000000e+00 : f32
    %broadcast_in_dim3A_371 = vector.broadcast %jit3A_370 : f32 to vector<128x16xf32>
    %select_n3A_372 = arith.select %eq3A_369, %get3A_342, %broadcast_in_dim3A_371 : vector<128x16xi1>, vector<128x16xf32>
    %eq3A_373 = arith.constant 5 : i32
    %eq3A_374 = vector.broadcast %eq3A_373 : i32 to vector<128x16xi32>
    %eq3A_375 = arith.cmpi eq, %select_n3A, %eq3A_374 : vector<128x16xi32>
    %jit3A_376 = arith.constant 0.000000e+00 : f32
    %broadcast_in_dim3A_377 = vector.broadcast %jit3A_376 : f32 to vector<128x16xf32>
    %select_n3A_378 = arith.select %eq3A_375, %get3A_342, %broadcast_in_dim3A_377 : vector<128x16xi1>, vector<128x16xf32>
    %eq3A_379 = arith.constant 6 : i32
    %eq3A_380 = vector.broadcast %eq3A_379 : i32 to vector<128x16xi32>
    %eq3A_381 = arith.cmpi eq, %select_n3A, %eq3A_380 : vector<128x16xi32>
    %jit3A_382 = arith.constant 0.000000e+00 : f32
    %broadcast_in_dim3A_383 = vector.broadcast %jit3A_382 : f32 to vector<128x16xf32>
    %select_n3A_384 = arith.select %eq3A_381, %get3A_342, %broadcast_in_dim3A_383 : vector<128x16xi1>, vector<128x16xf32>
    %eq3A_385 = arith.constant 7 : i32
    %eq3A_386 = vector.broadcast %eq3A_385 : i32 to vector<128x16xi32>
    %eq3A_387 = arith.cmpi eq, %select_n3A, %eq3A_386 : vector<128x16xi32>
    %jit3A_388 = arith.constant 0.000000e+00 : f32
    %broadcast_in_dim3A_389 = vector.broadcast %jit3A_388 : f32 to vector<128x16xf32>
    %select_n3A_390 = arith.select %eq3A_387, %get3A_342, %broadcast_in_dim3A_389 : vector<128x16xi1>, vector<128x16xf32>
    %get3A_391 = arith.constant 7 : index
    %get3A_392 = arith.constant 0 : index
    %get3A_393 = arith.constant 0 : index
    %get3A_394 = vector.load %arg2[%get3A_391, %get3A_392, %get3A_393] : memref<8x128x16xf32, #tpu.memory_space<vmem>>, vector<1x128x16xf32>
    %get3A_395 = vector.shape_cast %get3A_394 : vector<1x128x16xf32> to vector<128x16xf32>
    %eq3A_396 = arith.constant 0 : i32
    %eq3A_397 = vector.broadcast %eq3A_396 : i32 to vector<128x16xi32>
    %eq3A_398 = arith.cmpi eq, %select_n3A, %eq3A_397 : vector<128x16xi32>
    %jit3A_399 = arith.constant 0.000000e+00 : f32
    %broadcast_in_dim3A_400 = vector.broadcast %jit3A_399 : f32 to vector<128x16xf32>
    %select_n3A_401 = arith.select %eq3A_398, %get3A_395, %broadcast_in_dim3A_400 : vector<128x16xi1>, vector<128x16xf32>
    %eq3A_402 = arith.constant 1 : i32
    %eq3A_403 = vector.broadcast %eq3A_402 : i32 to vector<128x16xi32>
    %eq3A_404 = arith.cmpi eq, %select_n3A, %eq3A_403 : vector<128x16xi32>
    %jit3A_405 = arith.constant 0.000000e+00 : f32
    %broadcast_in_dim3A_406 = vector.broadcast %jit3A_405 : f32 to vector<128x16xf32>
    %select_n3A_407 = arith.select %eq3A_404, %get3A_395, %broadcast_in_dim3A_406 : vector<128x16xi1>, vector<128x16xf32>
    %eq3A_408 = arith.constant 2 : i32
    %eq3A_409 = vector.broadcast %eq3A_408 : i32 to vector<128x16xi32>
    %eq3A_410 = arith.cmpi eq, %select_n3A, %eq3A_409 : vector<128x16xi32>
    %jit3A_411 = arith.constant 0.000000e+00 : f32
    %broadcast_in_dim3A_412 = vector.broadcast %jit3A_411 : f32 to vector<128x16xf32>
    %select_n3A_413 = arith.select %eq3A_410, %get3A_395, %broadcast_in_dim3A_412 : vector<128x16xi1>, vector<128x16xf32>
    %eq3A_414 = arith.constant 3 : i32
    %eq3A_415 = vector.broadcast %eq3A_414 : i32 to vector<128x16xi32>
    %eq3A_416 = arith.cmpi eq, %select_n3A, %eq3A_415 : vector<128x16xi32>
    %jit3A_417 = arith.constant 0.000000e+00 : f32
    %broadcast_in_dim3A_418 = vector.broadcast %jit3A_417 : f32 to vector<128x16xf32>
    %select_n3A_419 = arith.select %eq3A_416, %get3A_395, %broadcast_in_dim3A_418 : vector<128x16xi1>, vector<128x16xf32>
    %eq3A_420 = arith.constant 4 : i32
    %eq3A_421 = vector.broadcast %eq3A_420 : i32 to vector<128x16xi32>
    %eq3A_422 = arith.cmpi eq, %select_n3A, %eq3A_421 : vector<128x16xi32>
    %jit3A_423 = arith.constant 0.000000e+00 : f32
    %broadcast_in_dim3A_424 = vector.broadcast %jit3A_423 : f32 to vector<128x16xf32>
    %select_n3A_425 = arith.select %eq3A_422, %get3A_395, %broadcast_in_dim3A_424 : vector<128x16xi1>, vector<128x16xf32>
    %eq3A_426 = arith.constant 5 : i32
    %eq3A_427 = vector.broadcast %eq3A_426 : i32 to vector<128x16xi32>
    %eq3A_428 = arith.cmpi eq, %select_n3A, %eq3A_427 : vector<128x16xi32>
    %jit3A_429 = arith.constant 0.000000e+00 : f32
    %broadcast_in_dim3A_430 = vector.broadcast %jit3A_429 : f32 to vector<128x16xf32>
    %select_n3A_431 = arith.select %eq3A_428, %get3A_395, %broadcast_in_dim3A_430 : vector<128x16xi1>, vector<128x16xf32>
    %eq3A_432 = arith.constant 6 : i32
    %eq3A_433 = vector.broadcast %eq3A_432 : i32 to vector<128x16xi32>
    %eq3A_434 = arith.cmpi eq, %select_n3A, %eq3A_433 : vector<128x16xi32>
    %jit3A_435 = arith.constant 0.000000e+00 : f32
    %broadcast_in_dim3A_436 = vector.broadcast %jit3A_435 : f32 to vector<128x16xf32>
    %select_n3A_437 = arith.select %eq3A_434, %get3A_395, %broadcast_in_dim3A_436 : vector<128x16xi1>, vector<128x16xf32>
    %eq3A_438 = arith.constant 7 : i32
    %eq3A_439 = vector.broadcast %eq3A_438 : i32 to vector<128x16xi32>
    %eq3A_440 = arith.cmpi eq, %select_n3A, %eq3A_439 : vector<128x16xi32>
    %jit3A_441 = arith.constant 0.000000e+00 : f32
    %broadcast_in_dim3A_442 = vector.broadcast %jit3A_441 : f32 to vector<128x16xf32>
    %select_n3A_443 = arith.select %eq3A_440, %get3A_395, %broadcast_in_dim3A_442 : vector<128x16xi1>, vector<128x16xf32>
    %concatenate3A = tpu.concatenate %select_n3A_30, %select_n3A_36, %select_n3A_42, %select_n3A_48, %select_n3A_54, %select_n3A_60, %select_n3A_66, %select_n3A_72, %select_n3A_83, %select_n3A_89, %select_n3A_95, %select_n3A_101, %select_n3A_107, %select_n3A_113, %select_n3A_119, %select_n3A_125, %select_n3A_136, %select_n3A_142, %select_n3A_148, %select_n3A_154, %select_n3A_160, %select_n3A_166, %select_n3A_172, %select_n3A_178, %select_n3A_189, %select_n3A_195, %select_n3A_201, %select_n3A_207, %select_n3A_213, %select_n3A_219, %select_n3A_225, %select_n3A_231, %select_n3A_242, %select_n3A_248, %select_n3A_254, %select_n3A_260, %select_n3A_266, %select_n3A_272, %select_n3A_278, %select_n3A_284, %select_n3A_295, %select_n3A_301, %select_n3A_307, %select_n3A_313, %select_n3A_319, %select_n3A_325, %select_n3A_331, %select_n3A_337, %select_n3A_348, %select_n3A_354, %select_n3A_360, %select_n3A_366, %select_n3A_372, %select_n3A_378, %select_n3A_384, %select_n3A_390, %select_n3A_401, %select_n3A_407, %select_n3A_413, %select_n3A_419, %select_n3A_425, %select_n3A_431, %select_n3A_437, %select_n3A_443 in 1 : vector<128x16xf32>, vector<128x16xf32>, vector<128x16xf32>, vector<128x16xf32>, vector<128x16xf32>, vector<128x16xf32>, vector<128x16xf32>, vector<128x16xf32>, vector<128x16xf32>, vector<128x16xf32>, vector<128x16xf32>, vector<128x16xf32>, vector<128x16xf32>, vector<128x16xf32>, vector<128x16xf32>, vector<128x16xf32>, vector<128x16xf32>, vector<128x16xf32>, vector<128x16xf32>, vector<128x16xf32>, vector<128x16xf32>, vector<128x16xf32>, vector<128x16xf32>, vector<128x16xf32>, vector<128x16xf32>, vector<128x16xf32>, vector<128x16xf32>, vector<128x16xf32>, vector<128x16xf32>, vector<128x16xf32>, vector<128x16xf32>, vector<128x16xf32>, vector<128x16xf32>, vector<128x16xf32>, vector<128x16xf32>, vector<128x16xf32>, vector<128x16xf32>, vector<128x16xf32>, vector<128x16xf32>, vector<128x16xf32>, vector<128x16xf32>, vector<128x16xf32>, vector<128x16xf32>, vector<128x16xf32>, vector<128x16xf32>, vector<128x16xf32>, vector<128x16xf32>, vector<128x16xf32>, vector<128x16xf32>, vector<128x16xf32>, vector<128x16xf32>, vector<128x16xf32>, vector<128x16xf32>, vector<128x16xf32>, vector<128x16xf32>, vector<128x16xf32>, vector<128x16xf32>, vector<128x16xf32>, vector<128x16xf32>, vector<128x16xf32>, vector<128x16xf32>, vector<128x16xf32>, vector<128x16xf32>, vector<128x16xf32> -> vector<128x1024xf32>
    %get3A_444 = arith.constant 0 : index
    %get3A_445 = arith.constant 0 : index
    %get3A_446 = vector.load %arg1[%get3A_444, %get3A_445] : memref<2000x128xf32, #tpu.memory_space<vmem>>, vector<2000x128xf32>
    %dot_general3A = arith.constant dense<0.000000e+00> : vector<2000x1024xf32>
    %dot_general3A_447 = tpu.matmul %get3A_446, %concatenate3A, %dot_general3A {dimension_numbers = #tpu.dot_dimension_numbers<[1], [0], [0], [1], [0, 0, 1, 1], [], []>, transpose_lhs_hint = false} : vector<2000x128xf32>, vector<128x1024xf32>, vector<2000x1024xf32> -> vector<2000x1024xf32>
    %slice3A = vector.extract_strided_slice %dot_general3A_447 {offsets = [0, 0], sizes = [2000, 128], strides = [1, 1]} : vector<2000x1024xf32> to vector<2000x128xf32>
    %swap3A = arith.constant 0 : index
    %swap3A_448 = arith.constant 0 : index
    %swap3A_449 = arith.constant 0 : index
    %swap3A_450 = vector.load %arg3[%swap3A, %swap3A_448, %swap3A_449] : memref<8x2000x128xf32, #tpu.memory_space<vmem>>, vector<1x2000x128xf32>
    %swap3A_451 = vector.shape_cast %swap3A_450 : vector<1x2000x128xf32> to vector<2000x128xf32>
    %swap3A_452 = vector.shape_cast %slice3A : vector<2000x128xf32> to vector<1x2000x128xf32>
    tpu.vector_store %arg3[%swap3A, %swap3A_448, %swap3A_449], %swap3A_452 {strides = array<i32>} : memref<8x2000x128xf32, #tpu.memory_space<vmem>>, vector<1x2000x128xf32>,
    %slice3A_453 = vector.extract_strided_slice %dot_general3A_447 {offsets = [0, 128], sizes = [2000, 128], strides = [1, 1]} : vector<2000x1024xf32> to vector<2000x128xf32>
    %swap3A_454 = arith.constant 1 : index
    %swap3A_455 = arith.constant 0 : index
    %swap3A_456 = arith.constant 0 : index
    %swap3A_457 = vector.load %arg3[%swap3A_454, %swap3A_455, %swap3A_456] : memref<8x2000x128xf32, #tpu.memory_space<vmem>>, vector<1x2000x128xf32>
    %swap3A_458 = vector.shape_cast %swap3A_457 : vector<1x2000x128xf32> to vector<2000x128xf32>
    %swap3A_459 = vector.shape_cast %slice3A_453 : vector<2000x128xf32> to vector<1x2000x128xf32>
    tpu.vector_store %arg3[%swap3A_454, %swap3A_455, %swap3A_456], %swap3A_459 {strides = array<i32>} : memref<8x2000x128xf32, #tpu.memory_space<vmem>>, vector<1x2000x128xf32>,
    %slice3A_460 = vector.extract_strided_slice %dot_general3A_447 {offsets = [0, 256], sizes = [2000, 128], strides = [1, 1]} : vector<2000x1024xf32> to vector<2000x128xf32>
    %swap3A_461 = arith.constant 2 : index
    %swap3A_462 = arith.constant 0 : index
    %swap3A_463 = arith.constant 0 : index
    %swap3A_464 = vector.load %arg3[%swap3A_461, %swap3A_462, %swap3A_463] : memref<8x2000x128xf32, #tpu.memory_space<vmem>>, vector<1x2000x128xf32>
    %swap3A_465 = vector.shape_cast %swap3A_464 : vector<1x2000x128xf32> to vector<2000x128xf32>
    %swap3A_466 = vector.shape_cast %slice3A_460 : vector<2000x128xf32> to vector<1x2000x128xf32>
    tpu.vector_store %arg3[%swap3A_461, %swap3A_462, %swap3A_463], %swap3A_466 {strides = array<i32>} : memref<8x2000x128xf32, #tpu.memory_space<vmem>>, vector<1x2000x128xf32>,
    %slice3A_467 = vector.extract_strided_slice %dot_general3A_447 {offsets = [0, 384], sizes = [2000, 128], strides = [1, 1]} : vector<2000x1024xf32> to vector<2000x128xf32>
    %swap3A_468 = arith.constant 3 : index
    %swap3A_469 = arith.constant 0 : index
    %swap3A_470 = arith.constant 0 : index
    %swap3A_471 = vector.load %arg3[%swap3A_468, %swap3A_469, %swap3A_470] : memref<8x2000x128xf32, #tpu.memory_space<vmem>>, vector<1x2000x128xf32>
    %swap3A_472 = vector.shape_cast %swap3A_471 : vector<1x2000x128xf32> to vector<2000x128xf32>
    %swap3A_473 = vector.shape_cast %slice3A_467 : vector<2000x128xf32> to vector<1x2000x128xf32>
    tpu.vector_store %arg3[%swap3A_468, %swap3A_469, %swap3A_470], %swap3A_473 {strides = array<i32>} : memref<8x2000x128xf32, #tpu.memory_space<vmem>>, vector<1x2000x128xf32>,
    %slice3A_474 = vector.extract_strided_slice %dot_general3A_447 {offsets = [0, 512], sizes = [2000, 128], strides = [1, 1]} : vector<2000x1024xf32> to vector<2000x128xf32>
    %swap3A_475 = arith.constant 4 : index
    %swap3A_476 = arith.constant 0 : index
    %swap3A_477 = arith.constant 0 : index
    %swap3A_478 = vector.load %arg3[%swap3A_475, %swap3A_476, %swap3A_477] : memref<8x2000x128xf32, #tpu.memory_space<vmem>>, vector<1x2000x128xf32>
    %swap3A_479 = vector.shape_cast %swap3A_478 : vector<1x2000x128xf32> to vector<2000x128xf32>
    %swap3A_480 = vector.shape_cast %slice3A_474 : vector<2000x128xf32> to vector<1x2000x128xf32>
    tpu.vector_store %arg3[%swap3A_475, %swap3A_476, %swap3A_477], %swap3A_480 {strides = array<i32>} : memref<8x2000x128xf32, #tpu.memory_space<vmem>>, vector<1x2000x128xf32>,
    %slice3A_481 = vector.extract_strided_slice %dot_general3A_447 {offsets = [0, 640], sizes = [2000, 128], strides = [1, 1]} : vector<2000x1024xf32> to vector<2000x128xf32>
    %swap3A_482 = arith.constant 5 : index
    %swap3A_483 = arith.constant 0 : index
    %swap3A_484 = arith.constant 0 : index
    %swap3A_485 = vector.load %arg3[%swap3A_482, %swap3A_483, %swap3A_484] : memref<8x2000x128xf32, #tpu.memory_space<vmem>>, vector<1x2000x128xf32>
    %swap3A_486 = vector.shape_cast %swap3A_485 : vector<1x2000x128xf32> to vector<2000x128xf32>
    %swap3A_487 = vector.shape_cast %slice3A_481 : vector<2000x128xf32> to vector<1x2000x128xf32>
    tpu.vector_store %arg3[%swap3A_482, %swap3A_483, %swap3A_484], %swap3A_487 {strides = array<i32>} : memref<8x2000x128xf32, #tpu.memory_space<vmem>>, vector<1x2000x128xf32>,
    %slice3A_488 = vector.extract_strided_slice %dot_general3A_447 {offsets = [0, 768], sizes = [2000, 128], strides = [1, 1]} : vector<2000x1024xf32> to vector<2000x128xf32>
    %swap3A_489 = arith.constant 6 : index
    %swap3A_490 = arith.constant 0 : index
    %swap3A_491 = arith.constant 0 : index
    %swap3A_492 = vector.load %arg3[%swap3A_489, %swap3A_490, %swap3A_491] : memref<8x2000x128xf32, #tpu.memory_space<vmem>>, vector<1x2000x128xf32>
    %swap3A_493 = vector.shape_cast %swap3A_492 : vector<1x2000x128xf32> to vector<2000x128xf32>
    %swap3A_494 = vector.shape_cast %slice3A_488 : vector<2000x128xf32> to vector<1x2000x128xf32>
    tpu.vector_store %arg3[%swap3A_489, %swap3A_490, %swap3A_491], %swap3A_494 {strides = array<i32>} : memref<8x2000x128xf32, #tpu.memory_space<vmem>>, vector<1x2000x128xf32>,
    %slice3A_495 = vector.extract_strided_slice %dot_general3A_447 {offsets = [0, 896], sizes = [2000, 128], strides = [1, 1]} : vector<2000x1024xf32> to vector<2000x128xf32>
    %swap3A_496 = arith.constant 7 : index
    %swap3A_497 = arith.constant 0 : index
    %swap3A_498 = arith.constant 0 : index
    %swap3A_499 = vector.load %arg3[%swap3A_496, %swap3A_497, %swap3A_498] : memref<8x2000x128xf32, #tpu.memory_space<vmem>>, vector<1x2000x128xf32>
    %swap3A_500 = vector.shape_cast %swap3A_499 : vector<1x2000x128xf32> to vector<2000x128xf32>
    %swap3A_501 = vector.shape_cast %slice3A_495 : vector<2000x128xf32> to vector<1x2000x128xf32>
    tpu.vector_store %arg3[%swap3A_496, %swap3A_497, %swap3A_498], %swap3A_501 {strides = array<i32>} : memref<8x2000x128xf32, #tpu.memory_space<vmem>>, vector<1x2000x128xf32>,
    return
  }
  func.func @transform_0(%arg0: i32) -> (i32, i32) {
    %c0_i32 = arith.constant 0 : i32
    %c0_i32_0 = arith.constant 0 : i32
    return %arg0, %c0_i32 : i32, i32
  }
  func.func @transform_1(%arg0: i32) -> (i32, i32, i32) {
    %c0_i32 = arith.constant 0 : i32
    %c0_i32_0 = arith.constant 0 : i32
    %c0_i32_1 = arith.constant 0 : i32
    %c0_i32_2 = arith.constant 0 : i32
    return %c0_i32, %c0_i32_0, %c0_i32_1 : i32, i32, i32
  }
  func.func @transform_2(%arg0: i32) -> (i32, i32, i32) {
    %c0_i32 = arith.constant 0 : i32
    %c0_i32_0 = arith.constant 0 : i32
    %c0_i32_1 = arith.constant 0 : i32
    return %c0_i32, %arg0, %c0_i32_0 : i32, i32, i32
  }
}

module attributes {stable_mosaic.version = 14 : i64} {
  func.func @_combine_body(%arg0: i32, %arg1: memref<2x2000x128xf32, #tpu.memory_space<vmem>>, %arg2: memref<2000x1xf32, #tpu.memory_space<vmem>>, %arg3: memref<2000x128xf32, #tpu.memory_space<vmem>>) attributes {dimension_semantics = [#tpu.dimension_semantics<arbitrary>], iteration_bounds = array<i64: 5>, scalar_prefetch = 0 : i64, scratch_operands = 0 : i64, tpu.core_type = #tpu.core_type<tc>, window_params = [{transform_indices = @transform_0, window_bounds = array<i64: 2, 2000, 128>}, {transform_indices = @transform_1, window_bounds = array<i64: 2000, 1>}, {transform_indices = @transform_2, window_bounds = array<i64: 2000, 128>}]} {
    %get3A = arith.constant 0 : index
    %get3A_0 = arith.constant 0 : index
    %get3A_1 = arith.constant 0 : index
    %get3A_2 = vector.load %arg1[%get3A, %get3A_0, %get3A_1] : memref<2x2000x128xf32, #tpu.memory_space<vmem>>, vector<1x2000x128xf32>
    %get3A_3 = vector.shape_cast %get3A_2 : vector<1x2000x128xf32> to vector<2000x128xf32>
    %get3A_4 = arith.constant 1 : index
    %get3A_5 = arith.constant 0 : index
    %get3A_6 = arith.constant 0 : index
    %get3A_7 = vector.load %arg1[%get3A_4, %get3A_5, %get3A_6] : memref<2x2000x128xf32, #tpu.memory_space<vmem>>, vector<1x2000x128xf32>
    %get3A_8 = vector.shape_cast %get3A_7 : vector<1x2000x128xf32> to vector<2000x128xf32>
    %add3A = arith.addf %get3A_3, %get3A_8 : vector<2000x128xf32>
    %get3A_9 = arith.constant 0 : index
    %get3A_10 = arith.constant 0 : index
    %get3A_11 = vector.load %arg2[%get3A_9, %get3A_10] : memref<2000x1xf32, #tpu.memory_space<vmem>>, vector<2000x1xf32>
    %mul3A = vector.broadcast %get3A_11 : vector<2000x1xf32> to vector<2000x128xf32>
    %mul3A_12 = arith.mulf %add3A, %mul3A : vector<2000x128xf32>
    %swap3A = arith.constant 0 : index
    %swap3A_13 = arith.constant 0 : index
    %swap3A_14 = vector.load %arg3[%swap3A, %swap3A_13] : memref<2000x128xf32, #tpu.memory_space<vmem>>, vector<2000x128xf32>
    tpu.vector_store %arg3[%swap3A, %swap3A_13], %mul3A_12 {strides = array<i32>} : memref<2000x128xf32, #tpu.memory_space<vmem>>, vector<2000x128xf32>,
    return
  }
  func.func @transform_0(%arg0: i32) -> (i32, i32, i32) {
    %c0_i32 = arith.constant 0 : i32
    %c0_i32_0 = arith.constant 0 : i32
    %c0_i32_1 = arith.constant 0 : i32
    return %c0_i32, %arg0, %c0_i32_0 : i32, i32, i32
  }
  func.func @transform_1(%arg0: i32) -> (i32, i32) {
    %c0_i32 = arith.constant 0 : i32
    %c0_i32_0 = arith.constant 0 : i32
    return %arg0, %c0_i32 : i32, i32
  }
  func.func @transform_2(%arg0: i32) -> (i32, i32) {
    %c0_i32 = arith.constant 0 : i32
    %c0_i32_0 = arith.constant 0 : i32
    return %arg0, %c0_i32 : i32, i32
  }
}

</mosaic_0001>

<sc_bundles>
// kernel: kernel.5.cloned.1.call-start
scs
__scs_entry_jumppad:
0x0: {  	(pc) =	sbr.rel $0x88, $3  }
0x1: {  	(tag) =	ssettag $0x0;
	lr =	simm.s32 $0x1  }
0x2: {  	[smem:$0x3F9C] =	sst lr;
	_ =	strace $0xD0000000  }
0x3: {  	_ = 	snop  }
0x4: {  	_ = 	snop  }
0x5: {  	_ = 	snop  }
0x6: {  	_ = 	snop  }
0x7: {  	_ = 	snop  }
__scs_overlays_trampoline_lowered:
0x8: {  	[smem:$0x3FAB] =	sst s0  }
0x9: {  	[smem:$0x3FAC] =	sst s1  }
0xa: {  	[smem:$0x3FAD] =	sst s2  }
0xb: {  	[smem:$0x3FAE] =	sst s3  }
0xc: {  	[smem:$0x3FAF] =	sst s4  }
0xd: {  	[smem:$0x3FB0] =	sst s5  }
0xe: {  	[smem:$0x3FB1] =	sst s6  }
0xf: {  	[smem:$0x3FB2] =	sst s7  }
0x10: {  	[smem:$0x3FB3] =	sst s8  }
0x11: {  	[smem:$0x3FB4] =	sst s9;
	s0 =	simm.s32 @!p0 $0x0  }
0x12: {  	s1 =	sld [smem:$0x3F9A];
	s0 =	simm.s32 @p0 $0x1  }
0x13: {  	[smem:$0x3FB5] =	sst s0;
	s0 =	simm.s32 @!p1 $0x0  }
0x14: {  	s2 =	sld [smem:$0x3F99];
	s0 =	simm.s32 @p1 $0x1  }
0x15: {  	[smem:$0x3FB6] =	sst s0;
	s0 =	simm.s32 @!p2 $0x0  }
0x16: {  	s3 =	sld [smem:$0x3FDB];
	s0 =	simm.s32 @p2 $0x1  }
0x17: {  	s4 =	simm.s32 $0x1BF5;
	[smem:$0x3FB8] =	sst s0  }
0x18: {  	s0 =	sld [smem:$0x3F9B];
	_ =	swait.ge [sflag:s4], $0x0  }
0x19: {  	s7 =	sld [smem:$0x3F9C]  }
0x1a: {  	s8 =	sadd.s32 $0xFFFFE003, lr  }
0x1b: {  	s9 =	sadd.s32 $0xFFFFFEF7, lr;
	s5 =	simm.s32 $0xFFFFFFFF;
	p2 =	slt.u32 s8, $0xFFFFF086  }
0x1c: {  	p1 =	slt.u32 s9, $0xF7A;
	s5 =	simm.s32 @!p2 $0x0  }
0x1d: {  	s5 =	simm.s32 @p1 $0x1;
	p0 =	seq.s32 s7, s2  }
0x1e: {  	s7 =	smul.u32 @!p0 $0xF7A, s2;
	p2 =	seq.s32 @!p0 s5, $0x0  }
0x1f: {  	s9 =	smul.u32 $0xF7A, s1;
	s8 =	simm.s32 @!p0 $0x1BF5;
	p2 =	por !p2, p0  }
0x20: {  	[sflag:s8] =	ssyncset.s32 @!p0 $0xFFFFF086;
	s6 =	sadd.s32 @!p0 s3, s7;
	s7 =	simm.s32 @!p0 $0x108  }
0x21: {  	s3 =	sadd.s32 s3, s9;
	s6 =	sadd.s32 @!p0 $0x88, s6;
	s7 =	simm.s32 @p2 $0x1082  }
0x22: {  	[simem:s7], [sflag:s8] =	dma.local @!p0 [hbm:s6], $0xF7A  }
0x23: {  	s9 =	sor.u32 $0xD0000000, s2;
	s6 =	simm.s32 $0x108;
	_ =	swait.ge @!p0 [sflag:s8], $0x0  }
0x24: {  	s3 =	sadd.s32 $0x88, s3;
	s6 =	simm.s32 @!p1 $0x1082;
	[sflag:s4] =	ssyncset.s32 $0xFFFFF086  }
0x25: {  	[simem:s6], [sflag:s4] =	dma.local [hbm:s3], $0xF7A  }
0x26: {  	[smem:$0x3F9C] =	sst s1;
	(tag) =	ssettag s2;
	_ =	strace s9  }
0x27: {  	s1 =	sld [smem:$0x3FAC]  }
0x28: {  	s2 =	sld [smem:$0x3FAD]  }
0x29: {  	s4 =	sld [smem:$0x3FAF]  }
0x2a: {  	p0 =	seq.s32 s5, $0x0;
	s5 =	sld [smem:$0x3FB0]  }
0x2b: {  	s6 =	sld [smem:$0x3FB1]  }
0x2c: {  	s7 =	sld [smem:$0x3FB2]  }
0x2d: {  	s3 =	simm.s32 $0x108;
	s8 =	sld [smem:$0x3FB3]  }
0x2e: {  	s3 =	simm.s32 @!p0 $0x1082;
	s9 =	sld [smem:$0x3FB4]  }
0x2f: {  	lr =	sadd.s32 s0, s3;
	s0 =	sld [smem:$0x3FAB]  }
0x30: {  	s3 =	sld [smem:$0x3FAE]  }
0x31: {  	[smem:$0x3FB7] =	sst s10  }
0x32: {  	s10 =	sld [smem:$0x3FB5];
	_ =	sdelay $0x3  }
0x33: {  	p0 =	seq.s32 s10, $0x1;
	s10 =	sld [smem:$0x3FB7];
	_ =	sdelay $0x3  }
0x34: {  	[smem:$0x3FB7] =	sst s10  }
0x35: {  	s10 =	sld [smem:$0x3FB6];
	_ =	sdelay $0x3  }
0x36: {  	p1 =	seq.s32 s10, $0x1;
	s10 =	sld [smem:$0x3FB7];
	_ =	sdelay $0x3  }
0x37: {  	[smem:$0x3FB7] =	sst s10  }
0x38: {  	s10 =	sld [smem:$0x3FB8]  }
0x39: {  	_ = 	snop;
	(pc) =	sbr.ind lr, $3  }
0x3a: {  	_ = 	snop  }
0x3b: {  	_ = 	snop  }
0x3c: {  	p2 =	seq.s32 s10, $0x1;
	s10 =	sld [smem:$0x3FB7]  }
0x3d: {  	_ =	shalt  }
0x3e: {  	_ =	shalt  }
0x3f: {  	_ =	shalt  }
0x40: {  	_ =	shalt  }
0x41: {  	_ =	shalt  }
0x42: {  	_ =	shalt  }
0x43: {  	_ =	shalt  }
0x44: {  	_ =	shalt  }
0x45: {  	_ =	shalt  }
0x46: {  	_ =	shalt  }
0x47: {  	_ =	shalt  }
0x48: {  	_ =	shalt  }
0x49: {  	_ =	shalt  }
0x4a: {  	_ =	shalt  }
0x4b: {  	_ =	shalt  }
0x4c: {  	_ =	shalt  }
0x4d: {  	_ =	shalt  }
0x4e: {  	_ =	shalt  }
0x4f: {  	_ =	shalt  }
0x50: {  	_ =	shalt  }
0x51: {  	_ =	shalt  }
0x52: {  	_ =	shalt  }
0x53: {  	_ =	shalt  }
0x54: {  	_ =	shalt  }
0x55: {  	_ =	shalt  }
0x56: {  	_ =	shalt  }
0x57: {  	_ =	shalt  }
0x58: {  	_ =	shalt  }
0x59: {  	_ =	shalt  }
0x5a: {  	_ =	shalt  }
0x5b: {  	_ =	shalt  }
0x5c: {  	_ =	shalt  }
0x5d: {  	_ =	shalt  }
0x5e: {  	_ =	shalt  }
0x5f: {  	_ =	shalt  }
0x60: {  	_ =	shalt  }
0x61: {  	_ =	shalt  }
0x62: {  	_ =	shalt  }
0x63: {  	_ =	shalt  }
0x64: {  	_ =	shalt  }
0x65: {  	_ =	shalt  }
0x66: {  	_ =	shalt  }
0x67: {  	_ =	shalt  }
0x68: {  	_ =	shalt  }
0x69: {  	_ =	shalt  }
0x6a: {  	_ =	shalt  }
0x6b: {  	_ =	shalt  }
0x6c: {  	_ =	shalt  }
0x6d: {  	_ =	shalt  }
0x6e: {  	_ =	shalt  }
0x6f: {  	_ =	shalt  }
0x70: {  	_ =	shalt  }
0x71: {  	_ =	shalt  }
0x72: {  	_ =	shalt  }
0x73: {  	_ =	shalt  }
0x74: {  	_ =	shalt  }
0x75: {  	_ =	shalt  }
0x76: {  	_ =	shalt  }
0x77: {  	_ =	shalt  }
0x78: {  	_ =	shalt  }
0x79: {  	_ =	shalt  }
0x7a: {  	_ =	shalt  }
0x7b: {  	_ =	shalt  }
0x7c: {  	_ =	shalt  }
0x7d: {  	_ =	shalt  }
0x7e: {  	_ =	shalt  }
0x7f: {  	_ =	shalt  }
0x80: {  	_ =	shalt  }
0x81: {  	_ =	shalt  }
0x82: {  	_ =	shalt  }
0x83: {  	_ =	shalt  }
0x84: {  	_ =	shalt  }
0x85: {  	_ =	shalt  }
0x86: {  	_ =	shalt  }
0x87: {  	_ =	shalt  }
.Lfunc_end0:
.L_simem_size_0:
called_computation_lowered:
.L_overlay_start_0:
0x88: {  	s2 =	sld [smem:$0x3FD9]  }
0x89: {  	s3 =	sld [smem:$0x3FFE];
	_ =	sdelay $0x1  }
0x8a: {  	s1 =	srdreg.scid  }
0x8b: {  	s0 =	sand.u32 $0x1, s1  }
0x8c: {  	s17 =	sshll.u32 s0, $0xA;
	s2 =	sadd.s32 s3, s2  }
0x8d: {  	s2 =	sadd.s32 s2, s17  }
0x8e: {  	[smem:$0x3FC3] =	sst s2  }
0x8f: {  	_ = 	snop  }
0x90: {  	s2 =	sld [smem:$0x3FD0];
	(tm) =	ssettm $0x1  }
0x91: {  	s18 =	sld [smem:$0x3FFB];
	_ =	sdelay $0x3  }
0x92: {  	_ =	strace s18  }
0x93: {  	s3 =	sld [smem:$0x3FFC];
	_ =	sdelay $0x3  }
0x94: {  	_ =	strace s3  }
0x95: {  	s3 =	sld [smem:$0x3FFD];
	_ =	sdelay $0x3  }
0x96: {  	_ =	strace s3  }
0x97: {  	_ =	strace $0x8FFFFFFF  }
0x98: {  	s19 =	sld [smem:$0x3FDB];
	_ =	sdelay $0x1  }
0x99: {  	s4 =	simm.s32 $_scs_section_size  }
0x9a: {  	s5 =	simm.s32 $_size__tile_overlayer_lowered;
	s6 =	simm.s32 $_tile_overlayer_lowered  }
0x9b: {  	s22 =	simm.s32 $0x1BFF;
	s21 =	sshll.u32 s6, $0x1;
	s3 =	sadd.s32 s4, s19  }
0x9c: {  	s7 =	simm.s32 $0x0;
	s20 =	sshll.u32 s5, $0x1;
	s5 =	sadd.s32 s21, s3  }
0x9d: {  	[timem:s7], [sflag:s22] =	dma.local [hbm:s5], s20  }
0x9e: {  	_ =	swait.ge [sflag:s22], s20  }
0x9f: {  	s4 =	ssub.s32 $0x0, s20;
	[sflag:s22] =	ssyncset.done $0x0  }
0xa0: {  	[sflag:s22] =	ssyncadd.s32 s4;
	_ =	sdelay $0x1  }
0xa1: {  	s23 =	simm.s32 $0x1B8B  }
0xa2: {  	_ =	swait.ge [sflag:s23], $0x1  }
0xa3: {  	[sflag:s23] =	ssyncset.done $0x0  }
0xa4: {  	s25 =	simm.s32 $0x1B8E;
	s24 =	sld [smem:$0x3FFE];
	[sflag:s23] =	ssyncadd.s32 $0xFFFFFFFF  }
0xa5: {  	s26 =	simm.s32 $execute0_lowered;
	[smem:$0x3FD2] =	sst s25  }
0xa6: {  	s5 =	sshll.u32 s26, $0x1;
	_ =	strace $0x80000046;
	[dreg:$0x1] =	wrdreg $0xFFFFFFFF  }
0xa7: {  	s28 =	simm.s32 $_size_execute0_lowered;
	s3 =	sadd.s32 s3, s5;
	[dreg:$0x0] =	wrdreg $0x0  }
0xa8: {  	s5 =	sshll.u32 s28, $0x1;
	[dreg:$0x2] =	wrdreg s3  }
0xa9: {  	[dreg:$0x3] =	wrdreg s5  }
0xaa: {  	[dreg:$0x4] =	wrdreg $0xC0  }
0xab: {  	_ =	task [dreg:s7], $0x5FFFF  }
0xac: {  	[dreg:$0x1] =	wrdreg $0xFFFFFFFF  }
0xad: {  	[dreg:$0x0] =	wrdreg $0x60  }
0xae: {  	[dreg:$0x2] =	wrdreg s24  }
0xaf: {  	[dreg:$0x3] =	wrdreg s2  }
0xb0: {  	[dreg:$0x4] =	wrdreg $0xB0000  }
0xb1: {  	[dreg:$0x5] =	wrdreg $0x9  }
0xb2: {  	_ =	task.clear_ibuf [dreg:s7], $0x6FFFF;
	_ =	strace $0x90000046  }
0xb3: {  	s29 =	simm.s32 $0x9;
	_ =	strace $0x80000048  }
0xb4: {  	_ =	swait.ge [sflag:s29], $0x1  }
0xb5: {  	[sflag:s29] =	ssyncadd.s32 $0xFFFFFFFF  }
0xb6: {  	_ =	strace $0x90000048  }
0xb7: {  	_ =	sfence  }
0xb8: {  	s30 =	sld [smem:$0x0];
	_ =	sdelay $0x2  }
0xb9: {  	s31 =	sshll.u32 s1, $0xD;
	s1 =	sshrl.u32 s1, $0x2  }
0xba: {  	s3 =	sand.u32 $0x4000, s31;
	s1 =	sadd.s32 s1, s30  }
0xbb: {  	s0 =	sor.u32 s3, s0;
	s1 =	sshll.u32 s1, $0x11  }
0xbc: {  	s0 =	sor.u32 s1, s0  }
0xbd: {  	s0 =	sadd.s32 $0x8F2B, s0  }
0xbe: {  	[sflag:s0] =	ssyncadd.remote.s32 $0x1  }
0xbf: {  	_ =	sfence.sel $0xFFFF  }
0xc0: {  	[dreg:$0x0] =	wrdreg $0xFFFFFFFF;
	(pc) =	sbr.abs _section_cstart, $3  }
0xc1: {  	[dreg:$0x1] =	wrdreg $0xFFFFFFFF  }
0xc2: {  	_ =	task.clear_ibuf [dreg:s7], $0x2FFFF;
	_ =	strace $0x9FFFFFFF  }
0xc3: {  	(tm) =	ssettm $0x7FFFFFFF  }
tec
execute0_lowered:
.L_overlay_start_1:
0x0: {  	(tag) =	ssettag $0x1  }
0x1: {  	s0 =	rddreg [dreg:$0x0]  }
0x2: {  	s2 =	rddreg [dreg:$0x2];
	s9 =	stileid.u32  }
0x3: {  	s1 =	srdreg.scid;
	s12 =	simm.s32 $0x0;
	s8 =	smul.u32 $0x50000, s9  }
0x4: {  	s1 =	sand.u32 $0x1, s1;
	[smem:$0x7FF] =	sst s12;
	s4 =	smul.u32 $0x14000, s9  }
0x5: {  	s3 =	smul.u32 $0x140000, s1;
	_ =	strace $0x80000047;
	s24 =	sshrl.u32 s8, $0x2  }
0x6: {  	s22 =	ssub.s32 $0x2, s1;
	s1 =	sshll.u32 s1, $0x4;
	s17 =	sadd.s32 s24, s2  }
0x7: {  	s1 =	sor.u32 s9, s1;
	s26 =	sadd.s32 $0x800, s17;
	[dreg:$0x5] =	wrdreg s17  }
0x8: {  	s9 =	smul.u32 $0x5000, s1;
	s1 =	sadd.s32 $0x1000, s17;
	[dreg:$0x8] =	wrdreg s26  }
0x9: {  	s3 =	sadd.s32 s4, s3;
	s4 =	sadd.s32 $0x2000, s17;
	[dreg:$0x9] =	wrdreg s1  }
0xa: {  	s8 =	sadd.s32 $0x2800, s17;
	[dreg:$0xb] =	wrdreg s4  }
0xb: {  	s10 =	sadd.s32 $0x3000, s17;
	[dreg:$0xc] =	wrdreg s8  }
0xc: {  	s11 =	sadd.s32 $0x3800, s17;
	[dreg:$0xd] =	wrdreg s10  }
0xd: {  	s13 =	sadd.s32 $0x4000, s17;
	[dreg:$0xe] =	wrdreg s11  }
0xe: {  	s14 =	sadd.s32 $0x4800, s17;
	[dreg:$0xf] =	wrdreg s13  }
0xf: {  	s15 =	sadd.s32 $0x5000, s17;
	[dreg:$0x10] =	wrdreg s14  }
0x10: {  	s5 =	sadd.s32 $0x28C00, s0;
	s16 =	sadd.s32 $0x5800, s17;
	[dreg:$0x11] =	wrdreg s15  }
0x11: {  	s6 =	sadd.s32 $0x14C00, s0;
	s18 =	sadd.s32 $0x6000, s17;
	[dreg:$0x12] =	wrdreg s16  }
0x12: {  	s7 =	sadd.s32 $0xC00, s0;
	s19 =	sadd.s32 $0x6800, s17;
	[dreg:$0x13] =	wrdreg s18  }
0x13: {  	s23 =	sshrl.u32 s22, $0x1;
	s20 =	sadd.s32 $0x7000, s17;
	[dreg:$0x14] =	wrdreg s19  }
0x14: {  	s3 =	sshrl.u32 s3, $0x3;
	s21 =	sadd.s32 $0x7800, s17;
	[dreg:$0x15] =	wrdreg s20  }
0x15: {  	s24 =	sadd.s32 $0x9000, s17;
	s0 =	sadd.s32 s3, s0;
	[dreg:$0x16] =	wrdreg s21  }
0x16: {  	s3 =	ssub.s32 s22, s23;
	s22 =	sadd.s32 $0x8000, s17;
	[dreg:$0x19] =	wrdreg s24  }
0x17: {  	s23 =	sadd.s32 $0x8800, s17;
	[dreg:$0x17] =	wrdreg s22  }
0x18: {  	s26 =	sadd.s32 $0xA000, s17;
	[dreg:$0x18] =	wrdreg s23  }
0x19: {  	s1 =	sadd.s32 $0xA800, s17;
	[dreg:$0x1b] =	wrdreg s26  }
0x1a: {  	s4 =	sadd.s32 $0xB800, s17;
	[dreg:$0x1c] =	wrdreg s1  }
0x1b: {  	s8 =	sadd.s32 $0xC000, s17;
	[dreg:$0x1e] =	wrdreg s4  }
0x1c: {  	s10 =	sadd.s32 $0xC800, s17;
	[dreg:$0x1f] =	wrdreg s8  }
0x1d: {  	s11 =	sadd.s32 $0xD000, s17;
	[smem:$0x7EF] =	sst s10  }
0x1e: {  	s13 =	sadd.s32 $0xD800, s17;
	[smem:$0x7F0] =	sst s11  }
0x1f: {  	s14 =	sadd.s32 $0xE000, s17;
	[smem:$0x7F1] =	sst s13  }
0x20: {  	s29 =	simm.s32 $0xA800;
	s15 =	sadd.s32 $0xE800, s17;
	[smem:$0x7F2] =	sst s14  }
0x21: {  	s30 =	simm.s32 $0x1;
	s16 =	sadd.s32 $0xF000, s17;
	[smem:$0x7F3] =	sst s15  }
0x22: {  	s31 =	simm.s32 $0x7;
	s18 =	sadd.s32 $0xF800, s17;
	[smem:$0x7F4] =	sst s16  }
0x23: {  	s28 =	simm.s32 $0x2B00;
	s19 =	sadd.s32 $0x10000, s17;
	[smem:$0x7F5] =	sst s18  }
0x24: {  	s20 =	sadd.s32 $0x10800, s17;
	s21 =	sadd.s32 $0x11000, s17;
	[smem:$0x7F6] =	sst s19  }
0x25: {  	s24 =	sadd.s32 $0x12800, s17;
	s0 =	sadd.s32 $0x161400, s0;
	[smem:$0x7F7] =	sst s20  }
0x26: {  	s25 =	smax.u32 s3, $0x1;
	s3 =	sadd.s32 $0x1800, s17;
	[smem:$0x7F8] =	sst s21  }
0x27: {  	s22 =	sadd.s32 $0x11800, s17;
	s23 =	sadd.s32 $0x12000, s17;
	[smem:$0x7FB] =	sst s24  }
0x28: {  	s26 =	sadd.s32 $0x13800, s17;
	s10 =	simm.s32 $0x50;
	s11 =	simm.s32 $0x3000  }
0x29: {  	s13 =	simm.s32 $0x5800;
	s15 =	simm.s32 $0x8000;
	[dreg:$0x6] =	wrdreg s0  }
0x2a: {  	s16 =	simm.s32 $0x2;
	s18 =	simm.s32 $0x4;
	[dreg:$0x7] =	wrdreg s25  }
0x2b: {  	s20 =	simm.s32 $0x3;
	s24 =	simm.s32 $0x2A80;
	[dreg:$0xa] =	wrdreg s3  }
0x2c: {  	s8 =	simm.s32 $0x1C00;
	s4 =	simm.s32 $0x2B80;
	[smem:$0x7F9] =	sst s22  }
0x2d: {  	s1 =	simm.s32 $0x2C00;
	s25 =	sadd.s32 $0x9800, s17;
	[smem:$0x7FA] =	sst s23  }
0x2e: {  	s3 =	sadd.s32 $0xB000, s17;
	[smem:$0x7FD] =	sst s26;
	s0 =	simm.s32 $0x1000  }
0x2f: {  	s22 =	simm.s32 $0x5;
	s23 =	simm.s32 $0x1B00;
	[dreg:$0x1a] =	wrdreg s25  }
0x30: {  	s26 =	simm.s32 $0x1B80;
	[dreg:$0x1d] =	wrdreg s3;
	s25 =	sadd.s32 $0x13000, s17  }
0x31: {  	v0 =	vimm.f32 $0.0e+00;
	s3 =	simm.s32 $0x2000;
	[smem:$0x7FC] =	sst s25;
	s25 =	simm.s32 $0x6  }
.LBB2_1:
0x32: {  	[dreg:$0x4] =	wrdreg s12;
	s12 =	simm.s32 $0x0;
	s14 =	simm.s32 $0x200  }
.LBB2_2:
0x33: {  	p0 =	sne.s32 s14, $0x1E00;
	[tilespmem:s12+$0xA870] =	vst v0  }
0x34: {  	[tilespmem:s12+$0xA800] =	vst v0  }
0x35: {  	[tilespmem:s12+$0xA810] =	vst v0  }
.Ltmp0:
0x36: {  	[tilespmem:s12+$0xA820] =	vst v0;
	(pc) =	sbr.rel @p0 .LBB2_2-.Ltmp0, $4  }
0x37: {  	[tilespmem:s12+$0xA830] =	vst v0  }
0x38: {  	[tilespmem:s12+$0xA840] =	vst v0  }
0x39: {  	[tilespmem:s12+$0xA850] =	vst v0  }
0x3a: {  	[tilespmem:s12+$0xA860] =	vst v0;
	s12 =	sshra.s32 s14, $0x2;
	s14 =	sadd.s32 $0x200, s14  }
0x3b: {  	[tilespmem:s12+$0xA870] =	vst v0  }
0x3c: {  	[tilespmem:s12+$0xA800] =	vst v0  }
0x3d: {  	[tilespmem:s12+$0xA810] =	vst v0  }
0x3e: {  	[tilespmem:s12+$0xA820] =	vst v0  }
0x3f: {  	[tilespmem:s12+$0xA830] =	vst v0  }
0x40: {  	[tilespmem:s12+$0xA840] =	vst v0  }
0x41: {  	[tilespmem:s12+$0xA850] =	vst v0  }
0x42: {  	[tilespmem:s12+$0xA860] =	vst v0;
	s19 =	rddreg [dreg:$0x9]  }
0x43: {  	[spmem:s17] =	stream.linear.scatter [tilespmem:s29], [sflag:$0x1], $0x800, $0x38;
	[tilespmem:$0x1F000] =	vst v63  }
0x44: {  	s17 =	rddreg [dreg:$0x8]  }
0x45: {  	[spmem:s17] =	stream.linear.scatter [tilespmem:s29], [sflag:$0x1], $0x800, $0x38;
	[tilespmem:$0x1F000] =	vst v63  }
0x46: {  	s21 =	rddreg [dreg:$0xa]  }
0x47: {  	[spmem:s19] =	stream.linear.scatter [tilespmem:s29], [sflag:$0x1], $0x800, $0x38;
	[tilespmem:$0x1F000] =	vst v63  }
0x48: {  	s14 =	rddreg [dreg:$0xb]  }
0x49: {  	[spmem:s21] =	stream.linear.scatter [tilespmem:s29], [sflag:$0x1], $0x800, $0x38;
	[tilespmem:$0x1F000] =	vst v63  }
0x4a: {  	s17 =	rddreg [dreg:$0xc]  }
0x4b: {  	[spmem:s14] =	stream.linear.scatter [tilespmem:s29], [sflag:$0x1], $0x800, $0x38;
	[tilespmem:$0x1F000] =	vst v63  }
0x4c: {  	s19 =	rddreg [dreg:$0xd]  }
0x4d: {  	[spmem:s17] =	stream.linear.scatter [tilespmem:s29], [sflag:$0x1], $0x800, $0x38;
	[tilespmem:$0x1F000] =	vst v63  }
0x4e: {  	s21 =	rddreg [dreg:$0xe]  }
0x4f: {  	[spmem:s19] =	stream.linear.scatter [tilespmem:s29], [sflag:$0x1], $0x800, $0x38;
	[tilespmem:$0x1F000] =	vst v63  }
0x50: {  	s14 =	rddreg [dreg:$0xf]  }
0x51: {  	[spmem:s21] =	stream.linear.scatter [tilespmem:s29], [sflag:$0x1], $0x800, $0x38;
	[tilespmem:$0x1F000] =	vst v63  }
0x52: {  	s17 =	rddreg [dreg:$0x10]  }
0x53: {  	[spmem:s14] =	stream.linear.scatter [tilespmem:s29], [sflag:$0x1], $0x800, $0x38;
	[tilespmem:$0x1F000] =	vst v63  }
0x54: {  	s19 =	rddreg [dreg:$0x11]  }
0x55: {  	[spmem:s17] =	stream.linear.scatter [tilespmem:s29], [sflag:$0x1], $0x800, $0x38;
	[tilespmem:$0x1F000] =	vst v63  }
0x56: {  	s21 =	rddreg [dreg:$0x12]  }
0x57: {  	[spmem:s19] =	stream.linear.scatter [tilespmem:s29], [sflag:$0x1], $0x800, $0x38;
	[tilespmem:$0x1F000] =	vst v63  }
0x58: {  	s14 =	rddreg [dreg:$0x13]  }
0x59: {  	[spmem:s21] =	stream.linear.scatter [tilespmem:s29], [sflag:$0x1], $0x800, $0x38;
	[tilespmem:$0x1F000] =	vst v63  }
0x5a: {  	s17 =	rddreg [dreg:$0x14]  }
0x5b: {  	[spmem:s14] =	stream.linear.scatter [tilespmem:s29], [sflag:$0x1], $0x800, $0x38;
	[tilespmem:$0x1F000] =	vst v63  }
0x5c: {  	s19 =	rddreg [dreg:$0x15]  }
0x5d: {  	[spmem:s17] =	stream.linear.scatter [tilespmem:s29], [sflag:$0x1], $0x800, $0x38;
	[tilespmem:$0x1F000] =	vst v63  }
0x5e: {  	s21 =	rddreg [dreg:$0x16]  }
0x5f: {  	[spmem:s19] =	stream.linear.scatter [tilespmem:s29], [sflag:$0x1], $0x800, $0x38;
	[tilespmem:$0x1F000] =	vst v63  }
0x60: {  	s14 =	rddreg [dreg:$0x17]  }
0x61: {  	[spmem:s21] =	stream.linear.scatter [tilespmem:s29], [sflag:$0x1], $0x800, $0x38;
	[tilespmem:$0x1F000] =	vst v63  }
0x62: {  	s17 =	rddreg [dreg:$0x18]  }
0x63: {  	[spmem:s14] =	stream.linear.scatter [tilespmem:s29], [sflag:$0x1], $0x800, $0x38;
	[tilespmem:$0x1F000] =	vst v63  }
0x64: {  	s19 =	rddreg [dreg:$0x19]  }
0x65: {  	[spmem:s17] =	stream.linear.scatter [tilespmem:s29], [sflag:$0x1], $0x800, $0x38;
	[tilespmem:$0x1F000] =	vst v63  }
0x66: {  	s21 =	rddreg [dreg:$0x1a]  }
0x67: {  	[spmem:s19] =	stream.linear.scatter [tilespmem:s29], [sflag:$0x1], $0x800, $0x38;
	[tilespmem:$0x1F000] =	vst v63  }
0x68: {  	s14 =	rddreg [dreg:$0x1b]  }
0x69: {  	[spmem:s21] =	stream.linear.scatter [tilespmem:s29], [sflag:$0x1], $0x800, $0x38;
	[tilespmem:$0x1F000] =	vst v63  }
0x6a: {  	s17 =	rddreg [dreg:$0x1c]  }
0x6b: {  	[spmem:s14] =	stream.linear.scatter [tilespmem:s29], [sflag:$0x1], $0x800, $0x38;
	[tilespmem:$0x1F000] =	vst v63  }
0x6c: {  	s19 =	rddreg [dreg:$0x1d]  }
0x6d: {  	[spmem:s17] =	stream.linear.scatter [tilespmem:s29], [sflag:$0x1], $0x800, $0x38;
	[tilespmem:$0x1F000] =	vst v63  }
0x6e: {  	s21 =	rddreg [dreg:$0x1e]  }
0x6f: {  	[spmem:s19] =	stream.linear.scatter [tilespmem:s29], [sflag:$0x1], $0x800, $0x38;
	[tilespmem:$0x1F000] =	vst v63  }
0x70: {  	s14 =	rddreg [dreg:$0x1f]  }
0x71: {  	[spmem:s21] =	stream.linear.scatter [tilespmem:s29], [sflag:$0x1], $0x800, $0x38;
	[tilespmem:$0x1F000] =	vst v63  }
0x72: {  	s17 =	sld [smem:$0x7EF]  }
0x73: {  	[spmem:s14] =	stream.linear.scatter [tilespmem:s29], [sflag:$0x1], $0x800, $0x38;
	[tilespmem:$0x1F000] =	vst v63  }
0x74: {  	s19 =	sld [smem:$0x7F0]  }
0x75: {  	[spmem:s17] =	stream.linear.scatter [tilespmem:s29], [sflag:$0x1], $0x800, $0x38;
	[tilespmem:$0x1F000] =	vst v63  }
0x76: {  	s21 =	sld [smem:$0x7F1]  }
0x77: {  	[spmem:s19] =	stream.linear.scatter [tilespmem:s29], [sflag:$0x1], $0x800, $0x38;
	[tilespmem:$0x1F000] =	vst v63  }
0x78: {  	s14 =	sld [smem:$0x7F2]  }
0x79: {  	[spmem:s21] =	stream.linear.scatter [tilespmem:s29], [sflag:$0x1], $0x800, $0x38;
	[tilespmem:$0x1F000] =	vst v63  }
0x7a: {  	s17 =	sld [smem:$0x7F3]  }
0x7b: {  	[spmem:s14] =	stream.linear.scatter [tilespmem:s29], [sflag:$0x1], $0x800, $0x38;
	[tilespmem:$0x1F000] =	vst v63  }
0x7c: {  	s19 =	sld [smem:$0x7F4]  }
0x7d: {  	[spmem:s17] =	stream.linear.scatter [tilespmem:s29], [sflag:$0x1], $0x800, $0x38;
	[tilespmem:$0x1F000] =	vst v63  }
0x7e: {  	s21 =	sld [smem:$0x7F5]  }
0x7f: {  	[spmem:s19] =	stream.linear.scatter [tilespmem:s29], [sflag:$0x1], $0x800, $0x38;
	[tilespmem:$0x1F000] =	vst v63  }
0x80: {  	s14 =	sld [smem:$0x7F6]  }
0x81: {  	[spmem:s21] =	stream.linear.scatter [tilespmem:s29], [sflag:$0x1], $0x800, $0x38;
	[tilespmem:$0x1F000] =	vst v63  }
0x82: {  	s17 =	sld [smem:$0x7F7]  }
0x83: {  	[spmem:s14] =	stream.linear.scatter [tilespmem:s29], [sflag:$0x1], $0x800, $0x38;
	[tilespmem:$0x1F000] =	vst v63  }
0x84: {  	s19 =	sld [smem:$0x7F8]  }
0x85: {  	[spmem:s17] =	stream.linear.scatter [tilespmem:s29], [sflag:$0x1], $0x800, $0x38;
	[tilespmem:$0x1F000] =	vst v63  }
0x86: {  	s21 =	sld [smem:$0x7F9]  }
0x87: {  	[spmem:s19] =	stream.linear.scatter [tilespmem:s29], [sflag:$0x1], $0x800, $0x38;
	[tilespmem:$0x1F000] =	vst v63  }
0x88: {  	s14 =	sld [smem:$0x7FA]  }
0x89: {  	[spmem:s21] =	stream.linear.scatter [tilespmem:s29], [sflag:$0x1], $0x800, $0x38;
	[tilespmem:$0x1F000] =	vst v63  }
0x8a: {  	s17 =	sld [smem:$0x7FB]  }
0x8b: {  	[spmem:s14] =	stream.linear.scatter [tilespmem:s29], [sflag:$0x1], $0x800, $0x38;
	[tilespmem:$0x1F000] =	vst v63  }
0x8c: {  	s19 =	sld [smem:$0x7FC]  }
0x8d: {  	[spmem:s17] =	stream.linear.scatter [tilespmem:s29], [sflag:$0x1], $0x800, $0x38;
	[tilespmem:$0x1F000] =	vst v63  }
0x8e: {  	s21 =	sld [smem:$0x7FD]  }
0x8f: {  	[spmem:s19] =	stream.linear.scatter [tilespmem:s29], [sflag:$0x1], $0x800, $0x38;
	[tilespmem:$0x1F000] =	vst v63  }
0x90: {  	_ = 	snop  }
0x91: {  	[spmem:s21] =	stream.linear.scatter [tilespmem:s29], [sflag:$0x1], $0x800, $0x38;
	[tilespmem:$0x1F000] =	vst v63  }
0x92: {  	_ =	swait.ge [sflag:s30], $0x800  }
0x93: {  	s12 =	simm.s32 $0x27;
	[sflag:s30] =	ssyncset.done $0x0  }
.LBB2_4:
0x94: {  	p0 =	sne.s32 s12, $0x1;
	s12 =	sadd.s32 $0xFFFFFFFF, s12;
	[sflag:s30] =	ssyncadd.s32 $0xFFFFF800  }
.Ltmp1:
0x95: {  	(pc) =	sbr.rel @p0 .LBB2_4-.Ltmp1, $3  }
0x96: {  	_ =	sdelay $0x1  }
0x97: {  	_ =	swait.ge [sflag:s30], $0x800  }
0x98: {  	[sflag:s30] =	ssyncset.done $0x0  }
0x99: {  	[sflag:s30] =	ssyncadd.s32 $0xFFFFF800  }
0x9a: {  	s12 =	simm.s32 $0x0;
	s14 =	simm.s32 $0x0;
	[bflag:$0x0] =	sbarrier.arrive $0xFFFF  }
.LBB2_6:
0x9b: {  	s17 =	sshll.u32 s14, $0xC  }
0x9c: {  	s17 =	sadd.s32 s9, s17  }
0x9d: {  	s19 =	rddreg [dreg:$0x1];
	s17 =	sshrl.u32 s17, $0x3  }
0x9e: {  	s19 =	sadd.s32 s19, s17  }
0x9f: {  	[tilespmem:s12], [sflag:$0x7] =	stream.linear.gather [hbm4b:s19+s12], $0xC80, $0x38;
	[tilespmem:$0x1F000] =	vst v63  }
0xa0: {  	_ =	swait.ge [sflag:s31], $0xC80  }
0xa1: {  	[sflag:s31] =	ssyncset.done $0x0  }
0xa2: {  	s21 =	sadd.s32 s6, s17;
	[sflag:s31] =	ssyncadd.s32 $0xFFFFF380  }
0xa3: {  	[tilespmem:s0], [sflag:$0x7] =	stream.linear.gather [hbm4b:s21+s12], $0xC80, $0x38;
	[tilespmem:$0x1F000] =	vst v63  }
0xa4: {  	_ =	swait.ge [sflag:s31], $0xC80  }
0xa5: {  	[sflag:s31] =	ssyncset.done $0x0  }
0xa6: {  	s17 =	sadd.s32 s7, s17;
	[sflag:s31] =	ssyncadd.s32 $0xFFFFF380  }
0xa7: {  	[tilespmem:s3], [sflag:$0x7] =	stream.linear.gather [hbm4b:s17+s12], $0xC80, $0x38;
	[tilespmem:$0x1F000] =	vst v63  }
0xa8: {  	_ =	swait.ge [sflag:s31], $0xC80  }
0xa9: {  	[sflag:s31] =	ssyncset.done $0x0  }
0xaa: {  	s17 =	simm.s32 $0x0;
	[sflag:s31] =	ssyncadd.s32 $0xFFFFF380  }
0xab: {  	v3 =	vld [tilespmem:s17+$0x0]  }
0xac: {  	v2 =	vld [tilespmem:s17+$0x10]  }
0xad: {  	v1 =	vld [tilespmem:s17+$0x20]  }
0xae: {  	v7 =	vld [tilespmem:s17+$0x1000]  }
0xaf: {  	v6 =	vld [tilespmem:s17+$0x1010]  }
0xb0: {  	v5 =	vld [tilespmem:s17+$0x1020]  }
0xb1: {  	s19 =	simm.s32 $0x200;
	v4 =	vld [tilespmem:s17+$0x1030]  }
.LBB2_7:
0xb2: {  	p0 =	sne.s32 s19, $0x3000;
	v8 =	vld [tilespmem:s17+$0x1040]  }
0xb3: {  	v7 =	vmul.u32 $0x2710, v7;
	v9 =	vld [tilespmem:s17+$0x30]  }
0xb4: {  	s21 =	sshra.s32 s19, $0x2;
	v6 =	vmul.u32 $0x2710, v6;
	v10 =	vld [tilespmem:s17+$0x40]  }
0xb5: {  	v7 =	vadd.s32 v3, v7;
	v3 =	vld [tilespmem:s21+$0x0];
	v5 =	vmul.u32 $0x2710, v5  }
0xb6: {  	[tilespmem:s17+$0x1000] =	vst v7;
	v6 =	vadd.s32 v2, v6;
	v2 =	vld [tilespmem:s21+$0x10];
	v4 =	vmul.u32 $0x2710, v4  }
.Ltmp2:
0xb7: {  	[tilespmem:s17+$0x1010] =	vst v6;
	v5 =	vadd.s32 v1, v5;
	v1 =	vld [tilespmem:s21+$0x20];
	v8 =	vmul.u32 $0x2710, v8;
	(pc) =	sbr.rel @p0 .LBB2_7-.Ltmp2, $4  }
0xb8: {  	v7 =	vld [tilespmem:s21+$0x1000];
	[tilespmem:s17+$0x1020] =	vst v5;
	v4 =	vadd.s32 v9, v4  }
0xb9: {  	v6 =	vld [tilespmem:s21+$0x1010];
	[tilespmem:s17+$0x1030] =	vst v4;
	v4 =	vadd.s32 v10, v8  }
0xba: {  	v5 =	vld [tilespmem:s21+$0x1020];
	[tilespmem:s17+$0x1040] =	vst v4;
	s17 =	smov.u32 s21  }
0xbb: {  	s19 =	sadd.s32 $0x200, s19;
	v4 =	vld [tilespmem:s17+$0x1030]  }
0xbc: {  	v8 =	vld [tilespmem:s17+$0x1040]  }
0xbd: {  	v9 =	vld [tilespmem:s17+$0x30];
	v7 =	vmul.u32 $0x2710, v7  }
0xbe: {  	v10 =	vld [tilespmem:s17+$0x40];
	v6 =	vmul.u32 $0x2710, v6  }
0xbf: {  	v3 =	vadd.s32 v3, v7;
	v5 =	vmul.u32 $0x2710, v5  }
0xc0: {  	[tilespmem:s17+$0x1000] =	vst v3;
	v2 =	vadd.s32 v2, v6;
	v3 =	vmul.u32 $0x2710, v4  }
0xc1: {  	[tilespmem:s17+$0x1010] =	vst v2;
	v1 =	vadd.s32 v1, v5;
	v2 =	vmul.u32 $0x2710, v8  }
0xc2: {  	[tilespmem:s17+$0x1020] =	vst v1;
	v1 =	vadd.s32 v9, v3  }
0xc3: {  	[tilespmem:s17+$0x1030] =	vst v1;
	v1 =	vadd.s32 v10, v2  }
0xc4: {  	[tilespmem:s17+$0x1040] =	vst v1  }
0xc5: {  	[tilespmem:s11], [sflag:$0x1] =	stream.indirect.gather [hbm4b:s5+s10], $0x80, s0, s10, $0xb8;
	[tilespmem:$0x1F000] =	vst v63  }
0xc6: {  	s21 =	simm.s32 $0x1080  }
0xc7: {  	[tilespmem:s13], [sflag:$0x2] =	stream.indirect.gather [hbm4b:s5+s10], $0x80, s21, s10, $0xb8;
	[tilespmem:$0x1F000] =	vst v63  }
0xc8: {  	_ =	swait.ge [sflag:s30], $0x2800  }
0xc9: {  	[sflag:s30] =	ssyncset.done $0x0  }
0xca: {  	[sflag:s30] =	ssyncadd.s32 $0xFFFFD800  }
0xcb: {  	[spmem:s2] =	stream.indirect.scatter.add.f32 [tilespmem:s11], [sflag:$0x4], $0x80, s3, s10, $0xb8;
	[tilespmem:$0x1F000] =	vst v63  }
0xcc: {  	s19 =	simm.s32 $0x1100  }
0xcd: {  	[tilespmem:s15], [sflag:$0x3] =	stream.indirect.gather [hbm4b:s5+s10], $0x80, s19, s10, $0xb8;
	[tilespmem:$0x1F000] =	vst v63  }
0xce: {  	_ =	swait.ge [sflag:s16], $0x2800  }
0xcf: {  	[sflag:s16] =	ssyncset.done $0x0  }
0xd0: {  	s21 =	simm.s32 $0x2080;
	[sflag:s16] =	ssyncadd.s32 $0xFFFFD800  }
0xd1: {  	[spmem:s2] =	stream.indirect.scatter.add.f32 [tilespmem:s13], [sflag:$0x5], $0x80, s21, s10, $0xb8;
	[tilespmem:$0x1F000] =	vst v63  }
0xd2: {  	_ =	swait.ge [sflag:s18], $0x2800  }
0xd3: {  	[sflag:s18] =	ssyncset.done $0x0  }
0xd4: {  	s19 =	simm.s32 $0x1180;
	[sflag:s18] =	ssyncadd.s32 $0xFFFFD800  }
0xd5: {  	[tilespmem:s11], [sflag:$0x1] =	stream.indirect.gather [hbm4b:s5+s10], $0x80, s19, s10, $0xb8;
	[tilespmem:$0x1F000] =	vst v63  }
0xd6: {  	_ =	swait.ge [sflag:s20], $0x2800  }
0xd7: {  	[sflag:s20] =	ssyncset.done $0x0  }
0xd8: {  	s21 =	simm.s32 $0x2100;
	[sflag:s20] =	ssyncadd.s32 $0xFFFFD800  }
0xd9: {  	[spmem:s2] =	stream.indirect.scatter.add.f32 [tilespmem:s15], [sflag:$0x6], $0x80, s21, s10, $0xb8;
	[tilespmem:$0x1F000] =	vst v63  }
0xda: {  	_ =	swait.ge [sflag:s22], $0x2800  }
0xdb: {  	[sflag:s22] =	ssyncset.done $0x0  }
0xdc: {  	s19 =	simm.s32 $0x1200;
	[sflag:s22] =	ssyncadd.s32 $0xFFFFD800  }
0xdd: {  	[tilespmem:s13], [sflag:$0x2] =	stream.indirect.gather [hbm4b:s5+s10], $0x80, s19, s10, $0xb8;
	[tilespmem:$0x1F000] =	vst v63  }
0xde: {  	_ =	swait.ge [sflag:s30], $0x2800  }
0xdf: {  	[sflag:s30] =	ssyncset.done $0x0  }
0xe0: {  	s21 =	simm.s32 $0x2180;
	[sflag:s30] =	ssyncadd.s32 $0xFFFFD800  }
0xe1: {  	[spmem:s2] =	stream.indirect.scatter.add.f32 [tilespmem:s11], [sflag:$0x4], $0x80, s21, s10, $0xb8;
	[tilespmem:$0x1F000] =	vst v63  }
0xe2: {  	_ =	swait.ge [sflag:s25], $0x2800  }
0xe3: {  	[sflag:s25] =	ssyncset.done $0x0  }
0xe4: {  	s19 =	simm.s32 $0x1280;
	[sflag:s25] =	ssyncadd.s32 $0xFFFFD800  }
0xe5: {  	[tilespmem:s15], [sflag:$0x3] =	stream.indirect.gather [hbm4b:s5+s10], $0x80, s19, s10, $0xb8;
	[tilespmem:$0x1F000] =	vst v63  }
0xe6: {  	_ =	swait.ge [sflag:s16], $0x2800  }
0xe7: {  	[sflag:s16] =	ssyncset.done $0x0  }
0xe8: {  	s21 =	simm.s32 $0x2200;
	[sflag:s16] =	ssyncadd.s32 $0xFFFFD800  }
0xe9: {  	[spmem:s2] =	stream.indirect.scatter.add.f32 [tilespmem:s13], [sflag:$0x5], $0x80, s21, s10, $0xb8;
	[tilespmem:$0x1F000] =	vst v63  }
0xea: {  	_ =	swait.ge [sflag:s18], $0x2800  }
0xeb: {  	[sflag:s18] =	ssyncset.done $0x0  }
0xec: {  	s19 =	simm.s32 $0x1300;
	[sflag:s18] =	ssyncadd.s32 $0xFFFFD800  }
0xed: {  	[tilespmem:s11], [sflag:$0x1] =	stream.indirect.gather [hbm4b:s5+s10], $0x80, s19, s10, $0xb8;
	[tilespmem:$0x1F000] =	vst v63  }
0xee: {  	_ =	swait.ge [sflag:s20], $0x2800  }
0xef: {  	[sflag:s20] =	ssyncset.done $0x0  }
0xf0: {  	s21 =	simm.s32 $0x2280;
	[sflag:s20] =	ssyncadd.s32 $0xFFFFD800  }
0xf1: {  	[spmem:s2] =	stream.indirect.scatter.add.f32 [tilespmem:s15], [sflag:$0x6], $0x80, s21, s10, $0xb8;
	[tilespmem:$0x1F000] =	vst v63  }
0xf2: {  	_ =	swait.ge [sflag:s22], $0x2800  }
0xf3: {  	[sflag:s22] =	ssyncset.done $0x0  }
0xf4: {  	s19 =	simm.s32 $0x1380;
	[sflag:s22] =	ssyncadd.s32 $0xFFFFD800  }
0xf5: {  	[tilespmem:s13], [sflag:$0x2] =	stream.indirect.gather [hbm4b:s5+s10], $0x80, s19, s10, $0xb8;
	[tilespmem:$0x1F000] =	vst v63  }
0xf6: {  	_ =	swait.ge [sflag:s30], $0x2800  }
0xf7: {  	[sflag:s30] =	ssyncset.done $0x0  }
0xf8: {  	s21 =	simm.s32 $0x2300;
	[sflag:s30] =	ssyncadd.s32 $0xFFFFD800  }
0xf9: {  	[spmem:s2] =	stream.indirect.scatter.add.f32 [tilespmem:s11], [sflag:$0x4], $0x80, s21, s10, $0xb8;
	[tilespmem:$0x1F000] =	vst v63  }
0xfa: {  	_ =	swait.ge [sflag:s25], $0x2800  }
0xfb: {  	[sflag:s25] =	ssyncset.done $0x0  }
0xfc: {  	s19 =	simm.s32 $0x1400;
	[sflag:s25] =	ssyncadd.s32 $0xFFFFD800  }
0xfd: {  	[tilespmem:s15], [sflag:$0x3] =	stream.indirect.gather [hbm4b:s5+s10], $0x80, s19, s10, $0xb8;
	[tilespmem:$0x1F000] =	vst v63  }
0xfe: {  	_ =	swait.ge [sflag:s16], $0x2800  }
0xff: {  	[sflag:s16] =	ssyncset.done $0x0  }
0x100: {  	s21 =	simm.s32 $0x2380;
	[sflag:s16] =	ssyncadd.s32 $0xFFFFD800  }
0x101: {  	[spmem:s2] =	stream.indirect.scatter.add.f32 [tilespmem:s13], [sflag:$0x5], $0x80, s21, s10, $0xb8;
	[tilespmem:$0x1F000] =	vst v63  }
0x102: {  	_ =	swait.ge [sflag:s18], $0x2800  }
0x103: {  	[sflag:s18] =	ssyncset.done $0x0  }
0x104: {  	s19 =	simm.s32 $0x1480;
	[sflag:s18] =	ssyncadd.s32 $0xFFFFD800  }
0x105: {  	[tilespmem:s11], [sflag:$0x1] =	stream.indirect.gather [hbm4b:s5+s10], $0x80, s19, s10, $0xb8;
	[tilespmem:$0x1F000] =	vst v63  }
0x106: {  	_ =	swait.ge [sflag:s20], $0x2800  }
0x107: {  	[sflag:s20] =	ssyncset.done $0x0  }
0x108: {  	s21 =	simm.s32 $0x2400;
	[sflag:s20] =	ssyncadd.s32 $0xFFFFD800  }
0x109: {  	[spmem:s2] =	stream.indirect.scatter.add.f32 [tilespmem:s15], [sflag:$0x6], $0x80, s21, s10, $0xb8;
	[tilespmem:$0x1F000] =	vst v63  }
0x10a: {  	_ =	swait.ge [sflag:s22], $0x2800  }
0x10b: {  	[sflag:s22] =	ssyncset.done $0x0  }
0x10c: {  	s19 =	simm.s32 $0x1500;
	[sflag:s22] =	ssyncadd.s32 $0xFFFFD800  }
0x10d: {  	[tilespmem:s13], [sflag:$0x2] =	stream.indirect.gather [hbm4b:s5+s10], $0x80, s19, s10, $0xb8;
	[tilespmem:$0x1F000] =	vst v63  }
0x10e: {  	_ =	swait.ge [sflag:s30], $0x2800  }
0x10f: {  	[sflag:s30] =	ssyncset.done $0x0  }
0x110: {  	s21 =	simm.s32 $0x2480;
	[sflag:s30] =	ssyncadd.s32 $0xFFFFD800  }
0x111: {  	[spmem:s2] =	stream.indirect.scatter.add.f32 [tilespmem:s11], [sflag:$0x4], $0x80, s21, s10, $0xb8;
	[tilespmem:$0x1F000] =	vst v63  }
0x112: {  	_ =	swait.ge [sflag:s25], $0x2800  }
0x113: {  	[sflag:s25] =	ssyncset.done $0x0  }
0x114: {  	s19 =	simm.s32 $0x1580;
	[sflag:s25] =	ssyncadd.s32 $0xFFFFD800  }
0x115: {  	[tilespmem:s15], [sflag:$0x3] =	stream.indirect.gather [hbm4b:s5+s10], $0x80, s19, s10, $0xb8;
	[tilespmem:$0x1F000] =	vst v63  }
0x116: {  	_ =	swait.ge [sflag:s16], $0x2800  }
0x117: {  	[sflag:s16] =	ssyncset.done $0x0  }
0x118: {  	s21 =	simm.s32 $0x2500;
	[sflag:s16] =	ssyncadd.s32 $0xFFFFD800  }
0x119: {  	[spmem:s2] =	stream.indirect.scatter.add.f32 [tilespmem:s13], [sflag:$0x5], $0x80, s21, s10, $0xb8;
	[tilespmem:$0x1F000] =	vst v63  }
0x11a: {  	_ =	swait.ge [sflag:s18], $0x2800  }
0x11b: {  	[sflag:s18] =	ssyncset.done $0x0  }
0x11c: {  	s19 =	simm.s32 $0x1600;
	[sflag:s18] =	ssyncadd.s32 $0xFFFFD800  }
0x11d: {  	[tilespmem:s11], [sflag:$0x1] =	stream.indirect.gather [hbm4b:s5+s10], $0x80, s19, s10, $0xb8;
	[tilespmem:$0x1F000] =	vst v63  }
0x11e: {  	_ =	swait.ge [sflag:s20], $0x2800  }
0x11f: {  	[sflag:s20] =	ssyncset.done $0x0  }
0x120: {  	s21 =	simm.s32 $0x2580;
	[sflag:s20] =	ssyncadd.s32 $0xFFFFD800  }
0x121: {  	[spmem:s2] =	stream.indirect.scatter.add.f32 [tilespmem:s15], [sflag:$0x6], $0x80, s21, s10, $0xb8;
	[tilespmem:$0x1F000] =	vst v63  }
0x122: {  	_ =	swait.ge [sflag:s22], $0x2800  }
0x123: {  	[sflag:s22] =	ssyncset.done $0x0  }
0x124: {  	s19 =	simm.s32 $0x1680;
	[sflag:s22] =	ssyncadd.s32 $0xFFFFD800  }
0x125: {  	[tilespmem:s13], [sflag:$0x2] =	stream.indirect.gather [hbm4b:s5+s10], $0x80, s19, s10, $0xb8;
	[tilespmem:$0x1F000] =	vst v63  }
0x126: {  	_ =	swait.ge [sflag:s30], $0x2800  }
0x127: {  	[sflag:s30] =	ssyncset.done $0x0  }
0x128: {  	s21 =	simm.s32 $0x2600;
	[sflag:s30] =	ssyncadd.s32 $0xFFFFD800  }
0x129: {  	[spmem:s2] =	stream.indirect.scatter.add.f32 [tilespmem:s11], [sflag:$0x4], $0x80, s21, s10, $0xb8;
	[tilespmem:$0x1F000] =	vst v63  }
0x12a: {  	_ =	swait.ge [sflag:s25], $0x2800  }
0x12b: {  	[sflag:s25] =	ssyncset.done $0x0  }
0x12c: {  	s19 =	simm.s32 $0x1700;
	[sflag:s25] =	ssyncadd.s32 $0xFFFFD800  }
0x12d: {  	[tilespmem:s15], [sflag:$0x3] =	stream.indirect.gather [hbm4b:s5+s10], $0x80, s19, s10, $0xb8;
	[tilespmem:$0x1F000] =	vst v63  }
0x12e: {  	_ =	swait.ge [sflag:s16], $0x2800  }
0x12f: {  	[sflag:s16] =	ssyncset.done $0x0  }
0x130: {  	s21 =	simm.s32 $0x2680;
	[sflag:s16] =	ssyncadd.s32 $0xFFFFD800  }
0x131: {  	[spmem:s2] =	stream.indirect.scatter.add.f32 [tilespmem:s13], [sflag:$0x5], $0x80, s21, s10, $0xb8;
	[tilespmem:$0x1F000] =	vst v63  }
0x132: {  	_ =	swait.ge [sflag:s18], $0x2800  }
0x133: {  	[sflag:s18] =	ssyncset.done $0x0  }
0x134: {  	s19 =	simm.s32 $0x1780;
	[sflag:s18] =	ssyncadd.s32 $0xFFFFD800  }
0x135: {  	[tilespmem:s11], [sflag:$0x1] =	stream.indirect.gather [hbm4b:s5+s10], $0x80, s19, s10, $0xb8;
	[tilespmem:$0x1F000] =	vst v63  }
0x136: {  	_ =	swait.ge [sflag:s20], $0x2800  }
0x137: {  	[sflag:s20] =	ssyncset.done $0x0  }
0x138: {  	s21 =	simm.s32 $0x2700;
	[sflag:s20] =	ssyncadd.s32 $0xFFFFD800  }
0x139: {  	[spmem:s2] =	stream.indirect.scatter.add.f32 [tilespmem:s15], [sflag:$0x6], $0x80, s21, s10, $0xb8;
	[tilespmem:$0x1F000] =	vst v63  }
0x13a: {  	_ =	swait.ge [sflag:s22], $0x2800  }
0x13b: {  	[sflag:s22] =	ssyncset.done $0x0  }
0x13c: {  	s19 =	simm.s32 $0x1800;
	[sflag:s22] =	ssyncadd.s32 $0xFFFFD800  }
0x13d: {  	[tilespmem:s13], [sflag:$0x2] =	stream.indirect.gather [hbm4b:s5+s10], $0x80, s19, s10, $0xb8;
	[tilespmem:$0x1F000] =	vst v63  }
0x13e: {  	_ =	swait.ge [sflag:s30], $0x2800  }
0x13f: {  	[sflag:s30] =	ssyncset.done $0x0  }
0x140: {  	s21 =	simm.s32 $0x2780;
	[sflag:s30] =	ssyncadd.s32 $0xFFFFD800  }
0x141: {  	[spmem:s2] =	stream.indirect.scatter.add.f32 [tilespmem:s11], [sflag:$0x4], $0x80, s21, s10, $0xb8;
	[tilespmem:$0x1F000] =	vst v63  }
0x142: {  	_ =	swait.ge [sflag:s25], $0x2800  }
0x143: {  	[sflag:s25] =	ssyncset.done $0x0  }
0x144: {  	s19 =	simm.s32 $0x1880;
	[sflag:s25] =	ssyncadd.s32 $0xFFFFD800  }
0x145: {  	[tilespmem:s15], [sflag:$0x3] =	stream.indirect.gather [hbm4b:s5+s10], $0x80, s19, s10, $0xb8;
	[tilespmem:$0x1F000] =	vst v63  }
0x146: {  	_ =	swait.ge [sflag:s16], $0x2800  }
0x147: {  	[sflag:s16] =	ssyncset.done $0x0  }
0x148: {  	s21 =	simm.s32 $0x2800;
	[sflag:s16] =	ssyncadd.s32 $0xFFFFD800  }
0x149: {  	[spmem:s2] =	stream.indirect.scatter.add.f32 [tilespmem:s13], [sflag:$0x5], $0x80, s21, s10, $0xb8;
	[tilespmem:$0x1F000] =	vst v63  }
0x14a: {  	_ =	swait.ge [sflag:s18], $0x2800  }
0x14b: {  	[sflag:s18] =	ssyncset.done $0x0  }
0x14c: {  	s19 =	simm.s32 $0x1900;
	[sflag:s18] =	ssyncadd.s32 $0xFFFFD800  }
0x14d: {  	[tilespmem:s11], [sflag:$0x1] =	stream.indirect.gather [hbm4b:s5+s10], $0x80, s19, s10, $0xb8;
	[tilespmem:$0x1F000] =	vst v63  }
0x14e: {  	_ =	swait.ge [sflag:s20], $0x2800  }
0x14f: {  	[sflag:s20] =	ssyncset.done $0x0  }
0x150: {  	s21 =	simm.s32 $0x2880;
	[sflag:s20] =	ssyncadd.s32 $0xFFFFD800  }
0x151: {  	[spmem:s2] =	stream.indirect.scatter.add.f32 [tilespmem:s15], [sflag:$0x6], $0x80, s21, s10, $0xb8;
	[tilespmem:$0x1F000] =	vst v63  }
0x152: {  	_ =	swait.ge [sflag:s22], $0x2800  }
0x153: {  	[sflag:s22] =	ssyncset.done $0x0  }
0x154: {  	s19 =	simm.s32 $0x1980;
	[sflag:s22] =	ssyncadd.s32 $0xFFFFD800  }
0x155: {  	[tilespmem:s13], [sflag:$0x2] =	stream.indirect.gather [hbm4b:s5+s10], $0x80, s19, s10, $0xb8;
	[tilespmem:$0x1F000] =	vst v63  }
0x156: {  	_ =	swait.ge [sflag:s30], $0x2800  }
0x157: {  	[sflag:s30] =	ssyncset.done $0x0  }
0x158: {  	s21 =	simm.s32 $0x2900;
	[sflag:s30] =	ssyncadd.s32 $0xFFFFD800  }
0x159: {  	[spmem:s2] =	stream.indirect.scatter.add.f32 [tilespmem:s11], [sflag:$0x4], $0x80, s21, s10, $0xb8;
	[tilespmem:$0x1F000] =	vst v63  }
0x15a: {  	_ =	swait.ge [sflag:s25], $0x2800  }
0x15b: {  	[sflag:s25] =	ssyncset.done $0x0  }
0x15c: {  	s19 =	simm.s32 $0x1A00;
	[sflag:s25] =	ssyncadd.s32 $0xFFFFD800  }
0x15d: {  	[tilespmem:s15], [sflag:$0x3] =	stream.indirect.gather [hbm4b:s5+s10], $0x80, s19, s10, $0xb8;
	[tilespmem:$0x1F000] =	vst v63  }
0x15e: {  	_ =	swait.ge [sflag:s16], $0x2800  }
0x15f: {  	[sflag:s16] =	ssyncset.done $0x0  }
0x160: {  	s21 =	simm.s32 $0x2980;
	[sflag:s16] =	ssyncadd.s32 $0xFFFFD800  }
0x161: {  	[spmem:s2] =	stream.indirect.scatter.add.f32 [tilespmem:s13], [sflag:$0x5], $0x80, s21, s10, $0xb8;
	[tilespmem:$0x1F000] =	vst v63  }
0x162: {  	_ =	swait.ge [sflag:s18], $0x2800  }
0x163: {  	[sflag:s18] =	ssyncset.done $0x0  }
0x164: {  	s19 =	simm.s32 $0x1A80;
	[sflag:s18] =	ssyncadd.s32 $0xFFFFD800  }
0x165: {  	[tilespmem:s11], [sflag:$0x1] =	stream.indirect.gather [hbm4b:s5+s10], $0x80, s19, s10, $0xb8;
	[tilespmem:$0x1F000] =	vst v63  }
0x166: {  	_ =	swait.ge [sflag:s20], $0x2800  }
0x167: {  	[sflag:s20] =	ssyncset.done $0x0  }
0x168: {  	s21 =	simm.s32 $0x2A00;
	[sflag:s20] =	ssyncadd.s32 $0xFFFFD800  }
0x169: {  	[spmem:s2] =	stream.indirect.scatter.add.f32 [tilespmem:s15], [sflag:$0x6], $0x80, s21, s10, $0xb8;
	[tilespmem:$0x1F000] =	vst v63  }
0x16a: {  	_ =	swait.ge [sflag:s22], $0x2800  }
0x16b: {  	[sflag:s22] =	ssyncset.done $0x0  }
0x16c: {  	[sflag:s22] =	ssyncadd.s32 $0xFFFFD800  }
0x16d: {  	[tilespmem:s13], [sflag:$0x2] =	stream.indirect.gather [hbm4b:s5+s10], $0x80, s23, s10, $0xb8;
	[tilespmem:$0x1F000] =	vst v63  }
0x16e: {  	_ =	swait.ge [sflag:s30], $0x2800  }
0x16f: {  	[sflag:s30] =	ssyncset.done $0x0  }
0x170: {  	[sflag:s30] =	ssyncadd.s32 $0xFFFFD800  }
0x171: {  	[spmem:s2] =	stream.indirect.scatter.add.f32 [tilespmem:s11], [sflag:$0x4], $0x80, s24, s10, $0xb8;
	[tilespmem:$0x1F000] =	vst v63  }
0x172: {  	_ =	swait.ge [sflag:s25], $0x2800  }
0x173: {  	[sflag:s25] =	ssyncset.done $0x0  }
0x174: {  	[sflag:s25] =	ssyncadd.s32 $0xFFFFD800  }
0x175: {  	[tilespmem:s15], [sflag:$0x3] =	stream.indirect.gather [hbm4b:s5+s10], $0x80, s26, s10, $0xb8;
	[tilespmem:$0x1F000] =	vst v63  }
0x176: {  	_ =	swait.ge [sflag:s16], $0x2800  }
0x177: {  	[sflag:s16] =	ssyncset.done $0x0  }
0x178: {  	[sflag:s16] =	ssyncadd.s32 $0xFFFFD800  }
0x179: {  	[spmem:s2] =	stream.indirect.scatter.add.f32 [tilespmem:s13], [sflag:$0x5], $0x80, s28, s10, $0xb8;
	[tilespmem:$0x1F000] =	vst v63  }
0x17a: {  	_ =	swait.ge [sflag:s18], $0x2800  }
0x17b: {  	[sflag:s18] =	ssyncset.done $0x0  }
0x17c: {  	[sflag:s18] =	ssyncadd.s32 $0xFFFFD800  }
0x17d: {  	[tilespmem:s11], [sflag:$0x1] =	stream.indirect.gather [hbm4b:s5+s10], $0x80, s8, s10, $0xb8;
	[tilespmem:$0x1F000] =	vst v63  }
0x17e: {  	_ =	swait.ge [sflag:s20], $0x2800  }
0x17f: {  	[sflag:s20] =	ssyncset.done $0x0  }
0x180: {  	[sflag:s20] =	ssyncadd.s32 $0xFFFFD800  }
0x181: {  	[spmem:s2] =	stream.indirect.scatter.add.f32 [tilespmem:s15], [sflag:$0x6], $0x80, s4, s10, $0xb8;
	[tilespmem:$0x1F000] =	vst v63  }
0x182: {  	_ =	swait.ge [sflag:s22], $0x2800  }
0x183: {  	[sflag:s22] =	ssyncset.done $0x0  }
0x184: {  	[sflag:s22] =	ssyncadd.s32 $0xFFFFD800  }
0x185: {  	_ =	swait.ge [sflag:s30], $0x2800  }
0x186: {  	[sflag:s30] =	ssyncset.done $0x0  }
0x187: {  	s14 =	sadd.s32 $0x1, s14;
	[sflag:s30] =	ssyncadd.s32 $0xFFFFD800  }
0x188: {  	[spmem:s2] =	stream.indirect.scatter.add.f32 [tilespmem:s11], [sflag:$0x4], $0x80, s1, s10, $0xb8;
	[tilespmem:$0x1F000] =	vst v63  }
0x189: {  	p0 =	sne.s32 s14, $0x5;
	_ =	swait.ge [sflag:s25], $0x2800  }
.Ltmp3:
0x18a: {  	[sflag:s25] =	ssyncset.done $0x0;
	(pc) =	sbr.rel @p0 .LBB2_6-.Ltmp3, $4  }
0x18b: {  	[sflag:s25] =	ssyncadd.s32 $0xFFFFD800  }
0x18c: {  	_ =	swait.ge [sflag:s18], $0x2800  }
0x18d: {  	[sflag:s18] =	ssyncset.done $0x0  }
0x18e: {  	[sflag:s18] =	ssyncadd.s32 $0xFFFFD800  }
0x18f: {  	s12 =	stileid.u32;
	[bflag:$0x0] =	sbarrier.arrive $0xFFFF  }
0x190: {  	s12 =	sshll.u32 s12, $0x6;
	s17 =	rddreg [dreg:$0x5]  }
0x191: {  	s19 =	rddreg [dreg:$0x6];
	s12 =	sor.u32 $0x1C07, s12;
	s14 =	sshrl.u32 s17, $0x3  }
0x192: {  	[hbm:s19], [sflag:s12] =	dma.local [spmem:s14], $0x2800  }
0x193: {  	_ =	swait.ge [sflag:s31], $0x2800  }
0x194: {  	s19 =	rddreg [dreg:$0x4]  }
0x195: {  	s21 =	rddreg [dreg:$0x7];
	s12 =	sadd.s32 $0x1, s19  }
0x196: {  	p0 =	sne.s32 s12, s21  }
.Ltmp4:
0x197: {  	_ = 	snop;
	(pc) =	sbr.rel @p0 .LBB2_1-.Ltmp4, $3  }
0x198: {  	_ =	sdelay $0x1  }
0x199: {  	[sflag:s31] =	ssyncset.done $0x0  }
0x19a: {  	[sflag:s31] =	ssyncadd.s32 $0xFFFFD800  }
0x19b: {  	_ =	sfence.sel $0x180000  }
0x19c: {  	[bflag:$0x0] =	sbarrier.arrive $0xFFFF  }
0x19d: {  	_ =	strace $0x90000047  }
0x19e: {  	s0 =	stileid.u32;
	[bflag:$0x2] =	sbarrier.arrive $0xFFFF  }
0x19f: {  	p0 =	sne.s32 s0, $0x0;
	s0 =	rddreg [dreg:$0x3]  }
0x1a0: {  	s0 =	sadd.s32 @!p0 $0x100000, s0  }
0x1a1: {  	[sflag:s0] =	ssyncadd.tile.s32 @!p0 $0x1;
	_ =	shalt  }
.Lfunc_end2:
_tile_overlayer_lowered:
.L_overlay_start_2:
0x1a2: {  	(tag) =	ssettag $0x2  }
0x1a3: {  	s0 =	rddreg [dreg:$0x0];
	s2 =	stileid.u32  }
0x1a4: {  	s1 =	rddreg [dreg:$0x1];
	p0 =	sne.s32 s2, $0x0  }
0x1a5: {  	s3 =	rddreg [dreg:$0x2];
	[bflag:$0x3] =	sbarrier.arrive $0xFFFF;
	s2 =	simm.s32 @!p0 $0x1C07  }
0x1a6: {  	[timem:s3], [sflag:s2] =	dma.local @!p0 [hbm:s0], s1  }
0x1a7: {  	s0 =	simm.s32 @!p0 $0x7  }
0x1a8: {  	_ =	swait.ge @!p0 [sflag:s0], s1  }
0x1a9: {  	s1 =	ssub.s32 @!p0 $0x0, s1;
	[sflag:s0] =	ssyncset.done @!p0 $0x0  }
0x1aa: {  	[sflag:s0] =	ssyncadd.s32 @!p0 s1  }
0x1ab: {  	[bflag:$0x3] =	sbarrier.arrive $0xFFFF  }
0x1ac: {  	_ =	shalt  }

</sc_bundles>
